<compile_context>
chip_gen: v7x
topology: tpu7x:2x2x1
jax: 0.10.2.dev20260603
libtpu: 0.0.44.dev20260713+nightly
codegen_flags: <defaults>
</compile_context>

<pallas_src>
import functools

import jax
import jax.numpy as jnp
from jax import lax
from jax.experimental import pallas as pl
from jax.experimental.pallas import tpu as pltpu
from jax.experimental.pallas import tpu_sc as plsc

_N = 10000
_E = 320000
_F = 128
_C = 80
_RB = 1000
_KP = 1664
_NS = 16
_EPT = _E // _NS
_CHUNKS = _EPT // _C
_K = 2
_ROUNDS = _CHUNKS // _K
_TAIL = _CHUNKS - _K * _ROUNDS
_ZR = 640
_AP = _NS * _ZR
_DUMP = _N


def _leaky(v):
    return jnp.where(v > 0, v, 0.01 * v)


def _rb(v):
    return v.astype(jnp.bfloat16).astype(jnp.float32)


def _bdot(a, b):
    return jnp.dot(_rb(a), _rb(b), preferred_element_type=jnp.float32,
                   precision=lax.Precision.HIGHEST)


def _hdot(a, b):
    return jnp.dot(a, _rb(b), preferred_element_type=jnp.float32,
                   precision=lax.Precision.HIGHEST)


def _enc_body(de, tw, sm, wd, wt, ws, ba, wi, bi, xo):
    h = (_bdot(de[...], wd[...]) + _bdot(tw[...], wt[...])
         + _bdot(sm[...], ws[...]) + ba[...])
    h = _leaky(h)
    xo[...] = _rb(_leaky(_bdot(h, wi[...]) + bi[...]))


def _encode(des, tweet, small, wd, wt, ws, ball, w_in, b_in):
    return pl.pallas_call(
        _enc_body,
        grid=(_N // _RB,),
        in_specs=[
            pl.BlockSpec((_RB, 768), lambda i: (i, 0)),
            pl.BlockSpec((_RB, 768), lambda i: (i, 0)),
            pl.BlockSpec((_RB, _F), lambda i: (i, 0)),
            pl.BlockSpec((768, _F), lambda i: (0, 0)),
            pl.BlockSpec((768, _F), lambda i: (0, 0)),
            pl.BlockSpec((_F, _F), lambda i: (0, 0)),
            pl.BlockSpec((1, _F), lambda i: (0, 0)),
            pl.BlockSpec((_F, _F), lambda i: (0, 0)),
            pl.BlockSpec((1, _F), lambda i: (0, 0)),
        ],
        out_specs=pl.BlockSpec((_RB, _F), lambda i: (i, 0)),
        out_shape=jax.ShapeDtypeStruct((_N, _F), jnp.float32),
    )(des, tweet, small, wd, wt, ws, ball, w_in, b_in)


def _combine(x, a0, a1, c0, c1, wroot, b, w0, w1):
    out = _bdot(x[...], wroot[...]) + b[...]
    out = out + _hdot(a0[...], w0[...]) / jnp.clip(c0[...][:, :1], 1.0)
    out = out + _hdot(a1[...], w1[...]) / jnp.clip(c1[...][:, :1], 1.0)
    return out


def _l1_body(x, a0, a1, c0, c1, wroot, b, w0, w1, ho):
    ho[...] = _rb(_combine(x, a0, a1, c0, c1, wroot, b, w0, w1))


def _l2_body(x, a0, a1, c0, c1, wroot, b, w0, w1, wo1, bo1, wo2, bo2, yo):
    h = _combine(x, a0, a1, c0, c1, wroot, b, w0, w1)
    z = _leaky(_bdot(h, wo1[...]) + bo1[...])
    yo[...] = _bdot(z, wo2[...]) + bo2[...]


_ROWB = lambda i: (i, 0)
_FIX = lambda i: (0, 0)

_COMBINE_IN_SPECS = [
    pl.BlockSpec((_RB, _F), _ROWB),
    pl.BlockSpec((_RB, _F), _ROWB),
    pl.BlockSpec((_RB, _F), _ROWB),
    pl.BlockSpec((_RB, 16), _ROWB),
    pl.BlockSpec((_RB, 16), _ROWB),
    pl.BlockSpec((_F, _F), _FIX),
    pl.BlockSpec((1, _F), _FIX),
    pl.BlockSpec((_F, _F), _FIX),
    pl.BlockSpec((_F, _F), _FIX),
]


def _combine1(*args):
    return pl.pallas_call(
        _l1_body,
        grid=(_N // _RB,),
        in_specs=list(_COMBINE_IN_SPECS),
        out_specs=pl.BlockSpec((_RB, _F), _ROWB),
        out_shape=jax.ShapeDtypeStruct((_N, _F), jnp.float32),
    )(*args)


def _combine2(*args):
    return pl.pallas_call(
        _l2_body,
        grid=(_N // _RB,),
        in_specs=list(_COMBINE_IN_SPECS) + [
            pl.BlockSpec((_F, _F), _FIX),
            pl.BlockSpec((1, _F), _FIX),
            pl.BlockSpec((_F, _F), _FIX),
            pl.BlockSpec((1, _F), _FIX),
        ],
        out_specs=pl.BlockSpec((_RB, _F), _ROWB),
        out_shape=jax.ShapeDtypeStruct((_N, _F), jnp.float32),
    )(*args)


def _make_sc_agg(with_counts):
    mesh = plsc.VectorSubcoreMesh(core_axis_name="c", subcore_axis_name="s")
    out_type = [
        jax.ShapeDtypeStruct((2, _AP, _F), jnp.float32),
    ]
    scratch = [
        pltpu.VMEM((_EPT,), jnp.int32),
        pltpu.VMEM_SHARED((_AP, _F), jnp.float32),
    ]
    scratch += [pltpu.VMEM((_C, _F), jnp.float32) for _ in range(_K)]
    scratch += [pltpu.VMEM((_C,), jnp.int32) for _ in range(_K)]
    scratch += [pltpu.VMEM((_C,), jnp.int32) for _ in range(_K)]
    scratch += [pltpu.VMEM((_C,), jnp.int32) for _ in range(_K)]
    scratch += [pltpu.SemaphoreType.DMA for _ in range(3 * _K)]
    if with_counts:
        out_type += [
            jax.ShapeDtypeStruct((2, _AP, _F), jnp.float32),
        ]

    @functools.partial(pl.kernel, mesh=mesh, out_type=out_type,
                       scratch_types=scratch)
    def sc_agg(*refs):
        if with_counts:
            (x, srch, dsth, typh, onesh, zrowh, agg, cnt, *bufs) = refs
        else:
            (x, srch, dsth, typh, zrowh, agg, *bufs) = refs
        srca, agg_sh = bufs[:2]
        rows = bufs[2:2 + _K]
        dtmp = bufs[2 + _K:2 + 2 * _K]
        ttmp = bufs[2 + 2 * _K:2 + 3 * _K]
        dstb = bufs[2 + 3 * _K:2 + 4 * _K]
        isem = bufs[2 + 4 * _K:2 + 5 * _K]
        gsem = bufs[2 + 5 * _K:2 + 6 * _K]
        ssem = bufs[2 + 6 * _K:2 + 7 * _K]

        cid = lax.axis_index("c")
        sid = lax.axis_index("s")
        r0 = sid * _ZR
        ebase = sid * _EPT

        pltpu.sync_copy(srch.at[pl.ds(ebase, _EPT)], srca)
        pltpu.sync_copy(zrowh, agg_sh.at[pl.ds(r0, _ZR)])
        plsc.subcore_barrier()

        def fire_idx(k, off):
            pltpu.async_copy(dsth.at[pl.ds(ebase + off, _C)], dtmp[k],
                             isem[k])
            pltpu.async_copy(typh.at[pl.ds(ebase + off, _C)], ttmp[k],
                             isem[k])

        def wait_idx(k, off):
            pltpu.make_async_copy(dsth.at[pl.ds(ebase + off, _C)], dtmp[k],
                                  isem[k]).wait()
            pltpu.make_async_copy(typh.at[pl.ds(ebase + off, _C)], ttmp[k],
                                  isem[k]).wait()

        def mask_dst(k):
            for j in range(_C // 16):
                sl = pl.ds(j * 16, 16)
                dstb[k][sl] = jnp.where(ttmp[k][sl] == cid, dtmp[k][sl],
                                        _DUMP)

        def wait_scat(k, src_buf):
            pltpu.make_async_copy(src_buf, agg_sh.at[dstb[k]],
                                  ssem[k]).wait()

        def gphase1(cbase, ks, guard):
            for k in ks:
                off = (cbase + k) * _C
                if guard:
                    @pl.when(guard())
                    def _():
                        wait_scat(k, rows[k])
                else:
                    wait_scat(k, rows[k])
                fire_idx(k, off)
                pltpu.async_copy(x.at[srca.at[pl.ds(off, _C)]],
                                 rows[k], gsem[k])

        def gphase2(cbase, ks):
            for k in ks:
                off = (cbase + k) * _C
                wait_idx(k, off)
                pltpu.make_async_copy(x.at[srca.at[pl.ds(off, _C)]],
                                      rows[k], gsem[k]).wait()
                mask_dst(k)
                pltpu.async_copy(rows[k], agg_sh.at[dstb[k]], ssem[k],
                                 add=True)

        def rnd(r, carry):
            gphase1(r * _K, range(_K), lambda: r > 0)
            gphase2(r * _K, range(_K))
            return carry

        lax.fori_loop(0, _ROUNDS, rnd, 0)
        if _TAIL:
            gphase1(_ROUNDS * _K, range(_TAIL), None)
            gphase2(_ROUNDS * _K, range(_TAIL))
        for k in range(_K):
            wait_scat(k, rows[k])
        plsc.subcore_barrier()

        pltpu.sync_copy(agg_sh.at[pl.ds(r0, _ZR)],
                        agg.at[cid, pl.ds(r0, _ZR)])

        if with_counts:
            plsc.subcore_barrier()
            pltpu.sync_copy(zrowh, agg_sh.at[pl.ds(r0, _ZR)])
            pltpu.sync_copy(onesh, rows[0])
            plsc.subcore_barrier()

            def cphase1(cbase, ks, guard):
                for k in ks:
                    off = (cbase + k) * _C
                    if guard:
                        @pl.when(guard())
                        def _():
                            wait_scat(k, rows[0])
                    else:
                        wait_scat(k, rows[0])
                    fire_idx(k, off)

            def cphase2(cbase, ks):
                for k in ks:
                    off = (cbase + k) * _C
                    wait_idx(k, off)
                    mask_dst(k)
                    pltpu.async_copy(rows[0], agg_sh.at[dstb[k]], ssem[k],
                                     add=True)

            def crnd(r, carry):
                cphase1(r * _K, range(_K), lambda: r > 0)
                cphase2(r * _K, range(_K))
                return carry

            lax.fori_loop(0, _ROUNDS, crnd, 0)
            if _TAIL:
                cphase1(_ROUNDS * _K, range(_TAIL), None)
                cphase2(_ROUNDS * _K, range(_TAIL))
            for k in range(_K):
                wait_scat(k, rows[0])
            plsc.subcore_barrier()
            pltpu.sync_copy(agg_sh.at[pl.ds(r0, _ZR)],
                            cnt.at[cid, pl.ds(r0, _ZR)])

    return sc_agg


_sc_cache = {}


def _get_sc_agg(with_counts):
    if with_counts not in _sc_cache:
        _sc_cache[with_counts] = _make_sc_agg(with_counts)
    return _sc_cache[with_counts]


def kernel(des, tweet, num_prop, cat_prop, new_feature, edge_index, edge_type,
           W_des, b_des, W_tweet, b_tweet, W_num, b_num, W_cat, b_cat,
           W_new, b_new, W_in, b_in, W_rel, W_root, b_rgcn,
           W_out1, b_out1, W_out2, b_out2):
    f32 = jnp.float32

    wd = jnp.zeros((768, _F), f32).at[:, 0:25].set(W_des)
    wt = jnp.zeros((768, _F), f32).at[:, 25:53].set(W_tweet)
    ws = jnp.zeros((_F, _F), f32)
    ws = ws.at[0:7, 53:78].set(W_num)
    ws = ws.at[7:18, 78:103].set(W_cat)
    ws = ws.at[18:20, 103:128].set(W_new)
    small = jnp.pad(
        jnp.concatenate([num_prop, cat_prop, new_feature], axis=1),
        ((0, 0), (0, _F - 20)))
    ball = jnp.concatenate(
        [b_des, b_tweet, b_num, b_cat, b_new]).reshape(1, _F)

    x = _encode(des, tweet, small, wd, wt, ws, ball, W_in,
                b_in.reshape(1, _F))

    src = edge_index[0]
    dst = edge_index[1]
    ones = jnp.ones((_C, _F), f32)
    zrow = jnp.zeros((_ZR, _F), f32)

    agg, cnt = _get_sc_agg(True)(x, src, dst, edge_type, ones, zrow)
    c0 = cnt[0, :_N, :16]
    c1 = cnt[1, :_N, :16]

    brg = b_rgcn.reshape(1, _F)
    h = _combine1(x, agg[0, :_N], agg[1, :_N], c0, c1,
                  W_root, brg, W_rel[0], W_rel[1])

    aggb, = _get_sc_agg(False)(h, src, dst, edge_type, zrow)

    w2p = jnp.zeros((_F, _F), f32).at[:, :2].set(W_out2)
    b2p = jnp.zeros((1, _F), f32).at[0, :2].set(b_out2)
    ypad = _combine2(h, aggb[0, :_N], aggb[1, :_N], c0, c1,
                     W_root, brg, W_rel[0], W_rel[1],
                     W_out1, b_out1.reshape(1, _F), w2p, b2p)
    return ypad[:, :2]

# --- scband reference (transcript-rebuilt; emitter-appended) ---
"""Pipeline reference for scband-esabot-rgcn-32590211842592 (READ-ONLY COPY).

The authoritative reference and input builder live on the scoring server;
editing this copy changes nothing except your own understanding.
"""

import jax, jax.numpy as jnp
import numpy as np

N = 10000
E = 320000

def _leaky(x):
    return jax.nn.leaky_relu(x, negative_slope=0.01)

def setup_inputs(seed: int = 0):
    key = jax.random.key(seed)
    ks = jax.random.split(key, 32)
    f32 = jnp.float32
    s = 0.05
    inp = {}
    inp['des'] = jax.random.normal(ks[0], (N, 768), dtype=f32)
    inp['tweet'] = jax.random.normal(ks[1], (N, 768), dtype=f32)
    inp['num_prop'] = jax.random.normal(ks[2], (N, 7), dtype=f32)
    inp['cat_prop'] = jax.random.normal(ks[3], (N, 11), dtype=f32)
    inp['new_feature'] = jax.random.normal(ks[4], (N, 2), dtype=f32)
    inp['edge_index'] = jax.random.randint(ks[5], (2, E), 0, N, dtype=jnp.int32)
    inp['edge_type'] = jax.random.randint(ks[6], (E,), 0, 2, dtype=jnp.int32)
    inp['W_des'] = jax.random.normal(ks[7], (768, 25), dtype=f32) * s
    inp['b_des'] = jnp.zeros((25,), dtype=f32)
    inp['W_tweet'] = jax.random.normal(ks[8], (768, 28), dtype=f32) * s
    inp['b_tweet'] = jnp.zeros((28,), dtype=f32)
    inp['W_num'] = jax.random.normal(ks[9], (7, 25), dtype=f32) * s
    inp['b_num'] = jnp.zeros((25,), dtype=f32)
    inp['W_cat'] = jax.random.normal(ks[10], (11, 25), dtype=f32) * s
    inp['b_cat'] = jnp.zeros((25,), dtype=f32)
    inp['W_new'] = jax.random.normal(ks[11], (2, 25), dtype=f32) * s
    inp['b_new'] = jnp.zeros((25,), dtype=f32)
    inp['W_in'] = jax.random.normal(ks[12], (128, 128), dtype=f32) * s
    inp['b_in'] = jnp.zeros((128,), dtype=f32)
    inp['W_rel'] = jax.random.normal(ks[13], (2, 128, 128), dtype=f32) * s
    inp['W_root'] = jax.random.normal(ks[14], (128, 128), dtype=f32) * s
    inp['b_rgcn'] = jnp.zeros((128,), dtype=f32)
    inp['W_out1'] = jax.random.normal(ks[15], (128, 128), dtype=f32) * s
    inp['b_out1'] = jnp.zeros((128,), dtype=f32)
    inp['W_out2'] = jax.random.normal(ks[16], (128, 2), dtype=f32) * s
    inp['b_out2'] = jnp.zeros((2,), dtype=f32)
    return inp

def _rgcn(x, src, dst, edge_type, W_rel, W_root, b):
    # PyG-style RGCNConv with mean aggregation per relation + root weight + bias
    out = x @ W_root + b
    for r in range(2):
        m = (edge_type == r).astype(x.dtype)
        msg = (x[src] @ W_rel[r]) * m[:, None]
        ssum = jax.ops.segment_sum(msg, dst, num_segments=N)
        cnt = jax.ops.segment_sum(m, dst, num_segments=N)
        out = out + ssum / jnp.clip(cnt, 1.0)[:, None]
    return out

def reference(des, tweet, num_prop, cat_prop, new_feature, edge_index, edge_type, W_des, b_des, W_tweet, b_tweet, W_num, b_num, W_cat, b_cat, W_new, b_new, W_in, b_in, W_rel, W_root, b_rgcn, W_out1, b_out1, W_out2, b_out2):
    d = _leaky(des @ W_des + b_des)
    t = _leaky(tweet @ W_tweet + b_tweet)
    n = _leaky(num_prop @ W_num + b_num)
    c = _leaky(cat_prop @ W_cat + b_cat)
    nf = _leaky(new_feature @ W_new + b_new)
    x = jnp.concatenate([d, t, n, c, nf], axis=1)
    x = _leaky(x @ W_in + b_in)
    src = edge_index[0]
    dst = edge_index[1]
    x = _rgcn(x, src, dst, edge_type, W_rel, W_root, b_rgcn)
    # dropout is identity in eval mode
    x = _rgcn(x, src, dst, edge_type, W_rel, W_root, b_rgcn)
    x = _leaky(x @ W_out1 + b_out1)
    return x @ W_out2 + b_out2

if __name__ == "__main__":
    import jax
    _d = setup_inputs()
    print(jax.jit(kernel)(*tuple(_d.values())))

</pallas_src>

<mosaic_0001>
#map = affine_map<(d0, d1) -> (0, 0)>
#map1 = affine_map<(d0, d1) -> (0)>
#map2 = affine_map<(d0, d1) -> (0, 0, 0)>
module attributes {stable_mosaic.version = 14 : i64} {
  func.func @sc_agg(%arg0: i32, %arg1: i32, %arg2: memref<10000x128xf32, #tpu.memory_space<hbm>>, %arg3: memref<320000xi32, #tpu.memory_space<hbm>>, %arg4: memref<320000xi32, #tpu.memory_space<hbm>>, %arg5: memref<320000xi32, #tpu.memory_space<hbm>>, %arg6: memref<640x128xf32, #tpu.memory_space<hbm>>, %arg7: memref<2x10240x128xf32, #tpu.memory_space<hbm>>, %arg8: memref<20000xi32, #tpu.memory_space<vmem>>, %arg9: memref<10240x128xf32, #tpu.memory_space<vmem_shared>>, %arg10: memref<80x128xf32, #tpu.memory_space<vmem>>, %arg11: memref<80x128xf32, #tpu.memory_space<vmem>>, %arg12: memref<80xi32, #tpu.memory_space<vmem>>, %arg13: memref<80xi32, #tpu.memory_space<vmem>>, %arg14: memref<80xi32, #tpu.memory_space<vmem>>, %arg15: memref<80xi32, #tpu.memory_space<vmem>>, %arg16: memref<80xi32, #tpu.memory_space<vmem>>, %arg17: memref<80xi32, #tpu.memory_space<vmem>>, %arg18: memref<!tpu.dma_semaphore, #tpu.memory_space<semaphore_mem>>, %arg19: memref<!tpu.dma_semaphore, #tpu.memory_space<semaphore_mem>>, %arg20: memref<!tpu.dma_semaphore, #tpu.memory_space<semaphore_mem>>, %arg21: memref<!tpu.dma_semaphore, #tpu.memory_space<semaphore_mem>>, %arg22: memref<!tpu.dma_semaphore, #tpu.memory_space<semaphore_mem>>, %arg23: memref<!tpu.dma_semaphore, #tpu.memory_space<semaphore_mem>>) attributes {dimension_semantics = [#tpu.dimension_semantics<core_parallel>, #tpu.dimension_semantics<subcore_parallel>], iteration_bounds = array<i64: 2, 16>, scalar_prefetch = 0 : i64, scratch_operands = 16 : i64, tpu.core_type = #tpu.core_type<sc_vector_subcore>, window_params = [{transform_indices = #map}, {transform_indices = #map1}, {transform_indices = #map1}, {transform_indices = #map1}, {transform_indices = #map}, {transform_indices = #map2}]} {
    %mul3A = arith.constant 640 : i32
    %mul3A_0 = arith.muli %arg1, %mul3A : i32
    %mul3A_1 = arith.constant 20000 : i32
    %mul3A_2 = arith.muli %arg1, %mul3A_1 : i32
    "tpu.region"() ({
      %run_scoped3A = tpu.sem_alloc : memref<!tpu.dma_semaphore, #tpu.memory_space<semaphore_mem>>
      %dma_start3A = tpu.memref_slice %arg3[%mul3A_2] : memref<320000xi32, #tpu.memory_space<hbm>> -> memref<20000xi32, #tpu.memory_space<hbm>>
      %dma_start3A_14 = tpu.memref_slice %arg3[%mul3A_2] : memref<320000xi32, #tpu.memory_space<hbm>> -> memref<20000xi32, #tpu.memory_space<hbm>>
      tpu.enqueue_dma source(%dma_start3A_14 : memref<20000xi32, #tpu.memory_space<hbm>>) target(%arg8 : memref<20000xi32, #tpu.memory_space<vmem>>) target_semaphore(%run_scoped3A : memref<!tpu.dma_semaphore, #tpu.memory_space<semaphore_mem>>)
      %dma_wait3A_15 = tpu.memref_slice %arg3[%mul3A_2] : memref<320000xi32, #tpu.memory_space<hbm>> -> memref<20000xi32, #tpu.memory_space<hbm>>
      %dma_wait3A_16 = tpu.memref_slice %arg3[%mul3A_2] : memref<320000xi32, #tpu.memory_space<hbm>> -> memref<20000xi32, #tpu.memory_space<hbm>>
      tpu.wait_dma2 semaphore(%run_scoped3A : memref<!tpu.dma_semaphore, #tpu.memory_space<semaphore_mem>>) src(%dma_wait3A_16 : memref<20000xi32, #tpu.memory_space<hbm>>) dst(%arg8 : memref<20000xi32, #tpu.memory_space<vmem>>)
      tpu.yield
    }) : () -> ()
    "tpu.region"() ({
      %run_scoped3A = tpu.sem_alloc : memref<!tpu.dma_semaphore, #tpu.memory_space<semaphore_mem>>
      %dma_start3A = arith.constant 0 : i32
      %dma_start3A_14 = tpu.memref_slice %arg9[%mul3A_0, %dma_start3A] : memref<10240x128xf32, #tpu.memory_space<vmem_shared>> -> memref<640x128xf32, #tpu.memory_space<vmem_shared>>
      tpu.enqueue_dma source(%arg6 : memref<640x128xf32, #tpu.memory_space<hbm>>) target(%dma_start3A_14 : memref<640x128xf32, #tpu.memory_space<vmem_shared>>) target_semaphore(%run_scoped3A : memref<!tpu.dma_semaphore, #tpu.memory_space<semaphore_mem>>)
      %dma_wait3A_15 = arith.constant 0 : i32
      %dma_wait3A_16 = tpu.memref_slice %arg9[%mul3A_0, %dma_wait3A_15] : memref<10240x128xf32, #tpu.memory_space<vmem_shared>> -> memref<640x128xf32, #tpu.memory_space<vmem_shared>>
      tpu.wait_dma2 semaphore(%run_scoped3A : memref<!tpu.dma_semaphore, #tpu.memory_space<semaphore_mem>>) src(%arg6 : memref<640x128xf32, #tpu.memory_space<hbm>>) dst(%dma_wait3A_16 : memref<640x128xf32, #tpu.memory_space<vmem_shared>>)
      tpu.yield
    }) : () -> ()
    %barrier3A = arith.constant 0 : index
    tpu.barrier barrier_id(%barrier3A)
    %scan3A = arith.constant 0 : i32
    %scan3A_3 = arith.constant 0 : i32
    %scan3A_4 = arith.constant 125 : i32
    %scan3A_5 = arith.addi %scan3A_3, %scan3A_4 : i32
    %scan3A_6 = arith.constant 1 : i32
    scf.for %scan3A_14 = %scan3A_3 to %scan3A_5 step %scan3A_6  : i32 {
      %mul3A_15 = arith.constant 2 : i32
      %mul3A_16 = arith.muli %scan3A_14, %mul3A_15 : i32
      %add3A = arith.constant 0 : i32
      %add3A_17 = arith.addi %mul3A_16, %add3A : i32
      %mul3A_18 = arith.constant 80 : i32
      %mul3A_19 = arith.muli %add3A_17, %mul3A_18 : i32
      %gt3A = arith.constant 0 : i32
      %gt3A_20 = arith.cmpi sgt, %scan3A_14, %gt3A : i32
      %convert_element_type3A = arith.extui %gt3A_20 : i1 to i32
      %cond3A = arith.constant 0 : i32
      %cond3A_21 = arith.cmpi ne, %convert_element_type3A, %cond3A : i32
      scf.if %cond3A_21 {
        %dma_wait3A_230 = arith.constant 0 : i32
        %dma_wait3A_231 = arith.constant 0 : i32
        %dma_wait3A_232 = tpu.memref_slice %arg9[%dma_wait3A_230, %dma_wait3A_231] : memref<10240x128xf32, #tpu.memory_space<vmem_shared>> -> memref<10240x128xf32, #tpu.memory_space<vmem_shared>>
        tpu.wait_indirect_dma semaphore(%arg22 : memref<!tpu.dma_semaphore, #tpu.memory_space<semaphore_mem>>) src(%arg10 : memref<80x128xf32, #tpu.memory_space<vmem>>) dst(%dma_wait3A_232 : memref<10240x128xf32, #tpu.memory_space<vmem_shared>>)
      } else {
      }
      %add3A_22 = arith.addi %mul3A_2, %mul3A_19 : i32
      %dma_start3A = tpu.memref_slice %arg4[%add3A_22] : memref<320000xi32, #tpu.memory_space<hbm>> -> memref<80xi32, #tpu.memory_space<hbm>>
      %dma_start3A_23 = tpu.memref_slice %arg4[%add3A_22] : memref<320000xi32, #tpu.memory_space<hbm>> -> memref<80xi32, #tpu.memory_space<hbm>>
      tpu.enqueue_dma source(%dma_start3A_23 : memref<80xi32, #tpu.memory_space<hbm>>) target(%arg12 : memref<80xi32, #tpu.memory_space<vmem>>) target_semaphore(%arg18 : memref<!tpu.dma_semaphore, #tpu.memory_space<semaphore_mem>>)
      %add3A_24 = arith.addi %mul3A_2, %mul3A_19 : i32
      %dma_start3A_25 = tpu.memref_slice %arg5[%add3A_24] : memref<320000xi32, #tpu.memory_space<hbm>> -> memref<80xi32, #tpu.memory_space<hbm>>
      %dma_start3A_26 = tpu.memref_slice %arg5[%add3A_24] : memref<320000xi32, #tpu.memory_space<hbm>> -> memref<80xi32, #tpu.memory_space<hbm>>
      tpu.enqueue_dma source(%dma_start3A_26 : memref<80xi32, #tpu.memory_space<hbm>>) target(%arg14 : memref<80xi32, #tpu.memory_space<vmem>>) target_semaphore(%arg18 : memref<!tpu.dma_semaphore, #tpu.memory_space<semaphore_mem>>)
      %dma_start3A_27 = tpu.memref_slice %arg8[%mul3A_19] : memref<20000xi32, #tpu.memory_space<vmem>> -> memref<80xi32, #tpu.memory_space<vmem>>
      %dma_start3A_28 = arith.constant 0 : i32
      %dma_start3A_29 = arith.constant 0 : i32
      %dma_start3A_30 = tpu.memref_slice %arg2[%dma_start3A_28, %dma_start3A_29] : memref<10000x128xf32, #tpu.memory_space<hbm>> -> memref<10000x128xf32, #tpu.memory_space<hbm>>
      tpu.enqueue_indirect_dma source(%dma_start3A_30 : memref<10000x128xf32, #tpu.memory_space<hbm>>) target(%arg10 : memref<80x128xf32, #tpu.memory_space<vmem>>) offsets(%dma_start3A_27 : memref<80xi32, #tpu.memory_space<vmem>>) semaphore(%arg20 : memref<!tpu.dma_semaphore, #tpu.memory_space<semaphore_mem>>)
      %add3A_31 = arith.constant 1 : i32
      %add3A_32 = arith.addi %mul3A_16, %add3A_31 : i32
      %mul3A_33 = arith.constant 80 : i32
      %mul3A_34 = arith.muli %add3A_32, %mul3A_33 : i32
      %gt3A_35 = arith.constant 0 : i32
      %gt3A_36 = arith.cmpi sgt, %scan3A_14, %gt3A_35 : i32
      %convert_element_type3A_37 = arith.extui %gt3A_36 : i1 to i32
      %cond3A_38 = arith.constant 0 : i32
      %cond3A_39 = arith.cmpi ne, %convert_element_type3A_37, %cond3A_38 : i32
      scf.if %cond3A_39 {
        %dma_wait3A_230 = arith.constant 0 : i32
        %dma_wait3A_231 = arith.constant 0 : i32
        %dma_wait3A_232 = tpu.memref_slice %arg9[%dma_wait3A_230, %dma_wait3A_231] : memref<10240x128xf32, #tpu.memory_space<vmem_shared>> -> memref<10240x128xf32, #tpu.memory_space<vmem_shared>>
        tpu.wait_indirect_dma semaphore(%arg23 : memref<!tpu.dma_semaphore, #tpu.memory_space<semaphore_mem>>) src(%arg11 : memref<80x128xf32, #tpu.memory_space<vmem>>) dst(%dma_wait3A_232 : memref<10240x128xf32, #tpu.memory_space<vmem_shared>>)
      } else {
      }
      %add3A_40 = arith.addi %mul3A_2, %mul3A_34 : i32
      %dma_start3A_41 = tpu.memref_slice %arg4[%add3A_40] : memref<320000xi32, #tpu.memory_space<hbm>> -> memref<80xi32, #tpu.memory_space<hbm>>
      %dma_start3A_42 = tpu.memref_slice %arg4[%add3A_40] : memref<320000xi32, #tpu.memory_space<hbm>> -> memref<80xi32, #tpu.memory_space<hbm>>
      tpu.enqueue_dma source(%dma_start3A_42 : memref<80xi32, #tpu.memory_space<hbm>>) target(%arg13 : memref<80xi32, #tpu.memory_space<vmem>>) target_semaphore(%arg19 : memref<!tpu.dma_semaphore, #tpu.memory_space<semaphore_mem>>)
      %add3A_43 = arith.addi %mul3A_2, %mul3A_34 : i32
      %dma_start3A_44 = tpu.memref_slice %arg5[%add3A_43] : memref<320000xi32, #tpu.memory_space<hbm>> -> memref<80xi32, #tpu.memory_space<hbm>>
      %dma_start3A_45 = tpu.memref_slice %arg5[%add3A_43] : memref<320000xi32, #tpu.memory_space<hbm>> -> memref<80xi32, #tpu.memory_space<hbm>>
      tpu.enqueue_dma source(%dma_start3A_45 : memref<80xi32, #tpu.memory_space<hbm>>) target(%arg15 : memref<80xi32, #tpu.memory_space<vmem>>) target_semaphore(%arg19 : memref<!tpu.dma_semaphore, #tpu.memory_space<semaphore_mem>>)
      %dma_start3A_46 = tpu.memref_slice %arg8[%mul3A_34] : memref<20000xi32, #tpu.memory_space<vmem>> -> memref<80xi32, #tpu.memory_space<vmem>>
      %dma_start3A_47 = arith.constant 0 : i32
      %dma_start3A_48 = arith.constant 0 : i32
      %dma_start3A_49 = tpu.memref_slice %arg2[%dma_start3A_47, %dma_start3A_48] : memref<10000x128xf32, #tpu.memory_space<hbm>> -> memref<10000x128xf32, #tpu.memory_space<hbm>>
      tpu.enqueue_indirect_dma source(%dma_start3A_49 : memref<10000x128xf32, #tpu.memory_space<hbm>>) target(%arg11 : memref<80x128xf32, #tpu.memory_space<vmem>>) offsets(%dma_start3A_46 : memref<80xi32, #tpu.memory_space<vmem>>) semaphore(%arg21 : memref<!tpu.dma_semaphore, #tpu.memory_space<semaphore_mem>>)
      %mul3A_50 = arith.constant 2 : i32
      %mul3A_51 = arith.muli %scan3A_14, %mul3A_50 : i32
      %add3A_52 = arith.constant 0 : i32
      %add3A_53 = arith.addi %mul3A_51, %add3A_52 : i32
      %mul3A_54 = arith.constant 80 : i32
      %mul3A_55 = arith.muli %add3A_53, %mul3A_54 : i32
      %add3A_56 = arith.addi %mul3A_2, %mul3A_55 : i32
      %dma_wait3A_57 = tpu.memref_slice %arg4[%add3A_56] : memref<320000xi32, #tpu.memory_space<hbm>> -> memref<80xi32, #tpu.memory_space<hbm>>
      %dma_wait3A_58 = tpu.memref_slice %arg4[%add3A_56] : memref<320000xi32, #tpu.memory_space<hbm>> -> memref<80xi32, #tpu.memory_space<hbm>>
      tpu.wait_dma2 semaphore(%arg18 : memref<!tpu.dma_semaphore, #tpu.memory_space<semaphore_mem>>) src(%dma_wait3A_58 : memref<80xi32, #tpu.memory_space<hbm>>) dst(%arg12 : memref<80xi32, #tpu.memory_space<vmem>>)
      %add3A_59 = arith.addi %mul3A_2, %mul3A_55 : i32
      %dma_wait3A_60 = tpu.memref_slice %arg5[%add3A_59] : memref<320000xi32, #tpu.memory_space<hbm>> -> memref<80xi32, #tpu.memory_space<hbm>>
      %dma_wait3A_61 = tpu.memref_slice %arg5[%add3A_59] : memref<320000xi32, #tpu.memory_space<hbm>> -> memref<80xi32, #tpu.memory_space<hbm>>
      tpu.wait_dma2 semaphore(%arg18 : memref<!tpu.dma_semaphore, #tpu.memory_space<semaphore_mem>>) src(%dma_wait3A_61 : memref<80xi32, #tpu.memory_space<hbm>>) dst(%arg14 : memref<80xi32, #tpu.memory_space<vmem>>)
      %dma_wait3A_62 = tpu.memref_slice %arg8[%mul3A_55] : memref<20000xi32, #tpu.memory_space<vmem>> -> memref<80xi32, #tpu.memory_space<vmem>>
      %dma_wait3A_63 = arith.constant 0 : i32
      %dma_wait3A_64 = arith.constant 0 : i32
      %dma_wait3A_65 = tpu.memref_slice %arg2[%dma_wait3A_63, %dma_wait3A_64] : memref<10000x128xf32, #tpu.memory_space<hbm>> -> memref<10000x128xf32, #tpu.memory_space<hbm>>
      tpu.wait_indirect_dma semaphore(%arg20 : memref<!tpu.dma_semaphore, #tpu.memory_space<semaphore_mem>>) src(%dma_wait3A_65 : memref<10000x128xf32, #tpu.memory_space<hbm>>) dst(%arg10 : memref<80x128xf32, #tpu.memory_space<vmem>>)
      %get3A = arith.constant 0 : index
      %get3A_66 = tpu.vector_load %arg14[%get3A] {strides = array<i32>} : memref<80xi32, #tpu.memory_space<vmem>>, vector<16xi32>,
      %get3A_67 = vector.shape_cast %get3A_66 : vector<16xi32> to vector<16xi32>
      %eq3A = vector.broadcast %arg0 : i32 to vector<16xi32>
      %eq3A_68 = arith.cmpi eq, %get3A_67, %eq3A : vector<16xi32>
      %get3A_69 = arith.constant 0 : index
      %get3A_70 = tpu.vector_load %arg12[%get3A_69] {strides = array<i32>} : memref<80xi32, #tpu.memory_space<vmem>>, vector<16xi32>,
      %get3A_71 = vector.shape_cast %get3A_70 : vector<16xi32> to vector<16xi32>
      %jit3A = arith.constant 10000 : i32
      %broadcast_in_dim3A = vector.broadcast %jit3A : i32 to vector<16xi32>
      %select_n3A = arith.select %eq3A_68, %get3A_71, %broadcast_in_dim3A : vector<16xi1>, vector<16xi32>
      %swap3A = arith.constant 0 : index
      %swap3A_72 = tpu.vector_load %arg16[%swap3A] {strides = array<i32>} : memref<80xi32, #tpu.memory_space<vmem>>, vector<16xi32>,
      %swap3A_73 = vector.shape_cast %swap3A_72 : vector<16xi32> to vector<16xi32>
      %swap3A_74 = vector.shape_cast %select_n3A : vector<16xi32> to vector<16xi32>
      tpu.vector_store %arg16[%swap3A], %swap3A_74 {strides = array<i32>} : memref<80xi32, #tpu.memory_space<vmem>>, vector<16xi32>,
      %get3A_75 = arith.constant 16 : index
      %get3A_76 = tpu.vector_load %arg14[%get3A_75] {strides = array<i32>} : memref<80xi32, #tpu.memory_space<vmem>>, vector<16xi32>,
      %get3A_77 = vector.shape_cast %get3A_76 : vector<16xi32> to vector<16xi32>
      %eq3A_78 = vector.broadcast %arg0 : i32 to vector<16xi32>
      %eq3A_79 = arith.cmpi eq, %get3A_77, %eq3A_78 : vector<16xi32>
      %get3A_80 = arith.constant 16 : index
      %get3A_81 = tpu.vector_load %arg12[%get3A_80] {strides = array<i32>} : memref<80xi32, #tpu.memory_space<vmem>>, vector<16xi32>,
      %get3A_82 = vector.shape_cast %get3A_81 : vector<16xi32> to vector<16xi32>
      %jit3A_83 = arith.constant 10000 : i32
      %broadcast_in_dim3A_84 = vector.broadcast %jit3A_83 : i32 to vector<16xi32>
      %select_n3A_85 = arith.select %eq3A_79, %get3A_82, %broadcast_in_dim3A_84 : vector<16xi1>, vector<16xi32>
      %swap3A_86 = arith.constant 16 : index
      %swap3A_87 = tpu.vector_load %arg16[%swap3A_86] {strides = array<i32>} : memref<80xi32, #tpu.memory_space<vmem>>, vector<16xi32>,
      %swap3A_88 = vector.shape_cast %swap3A_87 : vector<16xi32> to vector<16xi32>
      %swap3A_89 = vector.shape_cast %select_n3A_85 : vector<16xi32> to vector<16xi32>
      tpu.vector_store %arg16[%swap3A_86], %swap3A_89 {strides = array<i32>} : memref<80xi32, #tpu.memory_space<vmem>>, vector<16xi32>,
      %get3A_90 = arith.constant 32 : index
      %get3A_91 = tpu.vector_load %arg14[%get3A_90] {strides = array<i32>} : memref<80xi32, #tpu.memory_space<vmem>>, vector<16xi32>,
      %get3A_92 = vector.shape_cast %get3A_91 : vector<16xi32> to vector<16xi32>
      %eq3A_93 = vector.broadcast %arg0 : i32 to vector<16xi32>
      %eq3A_94 = arith.cmpi eq, %get3A_92, %eq3A_93 : vector<16xi32>
      %get3A_95 = arith.constant 32 : index
      %get3A_96 = tpu.vector_load %arg12[%get3A_95] {strides = array<i32>} : memref<80xi32, #tpu.memory_space<vmem>>, vector<16xi32>,
      %get3A_97 = vector.shape_cast %get3A_96 : vector<16xi32> to vector<16xi32>
      %jit3A_98 = arith.constant 10000 : i32
      %broadcast_in_dim3A_99 = vector.broadcast %jit3A_98 : i32 to vector<16xi32>
      %select_n3A_100 = arith.select %eq3A_94, %get3A_97, %broadcast_in_dim3A_99 : vector<16xi1>, vector<16xi32>
      %swap3A_101 = arith.constant 32 : index
      %swap3A_102 = tpu.vector_load %arg16[%swap3A_101] {strides = array<i32>} : memref<80xi32, #tpu.memory_space<vmem>>, vector<16xi32>,
      %swap3A_103 = vector.shape_cast %swap3A_102 : vector<16xi32> to vector<16xi32>
      %swap3A_104 = vector.shape_cast %select_n3A_100 : vector<16xi32> to vector<16xi32>
      tpu.vector_store %arg16[%swap3A_101], %swap3A_104 {strides = array<i32>} : memref<80xi32, #tpu.memory_space<vmem>>, vector<16xi32>,
      %get3A_105 = arith.constant 48 : index
      %get3A_106 = tpu.vector_load %arg14[%get3A_105] {strides = array<i32>} : memref<80xi32, #tpu.memory_space<vmem>>, vector<16xi32>,
      %get3A_107 = vector.shape_cast %get3A_106 : vector<16xi32> to vector<16xi32>
      %eq3A_108 = vector.broadcast %arg0 : i32 to vector<16xi32>
      %eq3A_109 = arith.cmpi eq, %get3A_107, %eq3A_108 : vector<16xi32>
      %get3A_110 = arith.constant 48 : index
      %get3A_111 = tpu.vector_load %arg12[%get3A_110] {strides = array<i32>} : memref<80xi32, #tpu.memory_space<vmem>>, vector<16xi32>,
      %get3A_112 = vector.shape_cast %get3A_111 : vector<16xi32> to vector<16xi32>
      %jit3A_113 = arith.constant 10000 : i32
      %broadcast_in_dim3A_114 = vector.broadcast %jit3A_113 : i32 to vector<16xi32>
      %select_n3A_115 = arith.select %eq3A_109, %get3A_112, %broadcast_in_dim3A_114 : vector<16xi1>, vector<16xi32>
      %swap3A_116 = arith.constant 48 : index
      %swap3A_117 = tpu.vector_load %arg16[%swap3A_116] {strides = array<i32>} : memref<80xi32, #tpu.memory_space<vmem>>, vector<16xi32>,
      %swap3A_118 = vector.shape_cast %swap3A_117 : vector<16xi32> to vector<16xi32>
      %swap3A_119 = vector.shape_cast %select_n3A_115 : vector<16xi32> to vector<16xi32>
      tpu.vector_store %arg16[%swap3A_116], %swap3A_119 {strides = array<i32>} : memref<80xi32, #tpu.memory_space<vmem>>, vector<16xi32>,
      %get3A_120 = arith.constant 64 : index
      %get3A_121 = tpu.vector_load %arg14[%get3A_120] {strides = array<i32>} : memref<80xi32, #tpu.memory_space<vmem>>, vector<16xi32>,
      %get3A_122 = vector.shape_cast %get3A_121 : vector<16xi32> to vector<16xi32>
      %eq3A_123 = vector.broadcast %arg0 : i32 to vector<16xi32>
      %eq3A_124 = arith.cmpi eq, %get3A_122, %eq3A_123 : vector<16xi32>
      %get3A_125 = arith.constant 64 : index
      %get3A_126 = tpu.vector_load %arg12[%get3A_125] {strides = array<i32>} : memref<80xi32, #tpu.memory_space<vmem>>, vector<16xi32>,
      %get3A_127 = vector.shape_cast %get3A_126 : vector<16xi32> to vector<16xi32>
      %jit3A_128 = arith.constant 10000 : i32
      %broadcast_in_dim3A_129 = vector.broadcast %jit3A_128 : i32 to vector<16xi32>
      %select_n3A_130 = arith.select %eq3A_124, %get3A_127, %broadcast_in_dim3A_129 : vector<16xi1>, vector<16xi32>
      %swap3A_131 = arith.constant 64 : index
      %swap3A_132 = tpu.vector_load %arg16[%swap3A_131] {strides = array<i32>} : memref<80xi32, #tpu.memory_space<vmem>>, vector<16xi32>,
      %swap3A_133 = vector.shape_cast %swap3A_132 : vector<16xi32> to vector<16xi32>
      %swap3A_134 = vector.shape_cast %select_n3A_130 : vector<16xi32> to vector<16xi32>
      tpu.vector_store %arg16[%swap3A_131], %swap3A_134 {strides = array<i32>} : memref<80xi32, #tpu.memory_space<vmem>>, vector<16xi32>,
      %dma_start3A_135 = arith.constant 0 : i32
      %dma_start3A_136 = arith.constant 0 : i32
      %dma_start3A_137 = tpu.memref_slice %arg9[%dma_start3A_135, %dma_start3A_136] : memref<10240x128xf32, #tpu.memory_space<vmem_shared>> -> memref<10240x128xf32, #tpu.memory_space<vmem_shared>>
      tpu.enqueue_indirect_dma source(%arg10 : memref<80x128xf32, #tpu.memory_space<vmem>>) target(%dma_start3A_137 : memref<10240x128xf32, #tpu.memory_space<vmem_shared>>) offsets(%arg16 : memref<80xi32, #tpu.memory_space<vmem>>) semaphore(%arg22 : memref<!tpu.dma_semaphore, #tpu.memory_space<semaphore_mem>>) {add = true}
      %add3A_138 = arith.constant 1 : i32
      %add3A_139 = arith.addi %mul3A_51, %add3A_138 : i32
      %mul3A_140 = arith.constant 80 : i32
      %mul3A_141 = arith.muli %add3A_139, %mul3A_140 : i32
      %add3A_142 = arith.addi %mul3A_2, %mul3A_141 : i32
      %dma_wait3A_143 = tpu.memref_slice %arg4[%add3A_142] : memref<320000xi32, #tpu.memory_space<hbm>> -> memref<80xi32, #tpu.memory_space<hbm>>
      %dma_wait3A_144 = tpu.memref_slice %arg4[%add3A_142] : memref<320000xi32, #tpu.memory_space<hbm>> -> memref<80xi32, #tpu.memory_space<hbm>>
      tpu.wait_dma2 semaphore(%arg19 : memref<!tpu.dma_semaphore, #tpu.memory_space<semaphore_mem>>) src(%dma_wait3A_144 : memref<80xi32, #tpu.memory_space<hbm>>) dst(%arg13 : memref<80xi32, #tpu.memory_space<vmem>>)
      %add3A_145 = arith.addi %mul3A_2, %mul3A_141 : i32
      %dma_wait3A_146 = tpu.memref_slice %arg5[%add3A_145] : memref<320000xi32, #tpu.memory_space<hbm>> -> memref<80xi32, #tpu.memory_space<hbm>>
      %dma_wait3A_147 = tpu.memref_slice %arg5[%add3A_145] : memref<320000xi32, #tpu.memory_space<hbm>> -> memref<80xi32, #tpu.memory_space<hbm>>
      tpu.wait_dma2 semaphore(%arg19 : memref<!tpu.dma_semaphore, #tpu.memory_space<semaphore_mem>>) src(%dma_wait3A_147 : memref<80xi32, #tpu.memory_space<hbm>>) dst(%arg15 : memref<80xi32, #tpu.memory_space<vmem>>)
      %dma_wait3A_148 = tpu.memref_slice %arg8[%mul3A_141] : memref<20000xi32, #tpu.memory_space<vmem>> -> memref<80xi32, #tpu.memory_space<vmem>>
      %dma_wait3A_149 = arith.constant 0 : i32
      %dma_wait3A_150 = arith.constant 0 : i32
      %dma_wait3A_151 = tpu.memref_slice %arg2[%dma_wait3A_149, %dma_wait3A_150] : memref<10000x128xf32, #tpu.memory_space<hbm>> -> memref<10000x128xf32, #tpu.memory_space<hbm>>
      tpu.wait_indirect_dma semaphore(%arg21 : memref<!tpu.dma_semaphore, #tpu.memory_space<semaphore_mem>>) src(%dma_wait3A_151 : memref<10000x128xf32, #tpu.memory_space<hbm>>) dst(%arg11 : memref<80x128xf32, #tpu.memory_space<vmem>>)
      %get3A_152 = arith.constant 0 : index
      %get3A_153 = tpu.vector_load %arg15[%get3A_152] {strides = array<i32>} : memref<80xi32, #tpu.memory_space<vmem>>, vector<16xi32>,
      %get3A_154 = vector.shape_cast %get3A_153 : vector<16xi32> to vector<16xi32>
      %eq3A_155 = vector.broadcast %arg0 : i32 to vector<16xi32>
      %eq3A_156 = arith.cmpi eq, %get3A_154, %eq3A_155 : vector<16xi32>
      %get3A_157 = arith.constant 0 : index
      %get3A_158 = tpu.vector_load %arg13[%get3A_157] {strides = array<i32>} : memref<80xi32, #tpu.memory_space<vmem>>, vector<16xi32>,
      %get3A_159 = vector.shape_cast %get3A_158 : vector<16xi32> to vector<16xi32>
      %jit3A_160 = arith.constant 10000 : i32
      %broadcast_in_dim3A_161 = vector.broadcast %jit3A_160 : i32 to vector<16xi32>
      %select_n3A_162 = arith.select %eq3A_156, %get3A_159, %broadcast_in_dim3A_161 : vector<16xi1>, vector<16xi32>
      %swap3A_163 = arith.constant 0 : index
      %swap3A_164 = tpu.vector_load %arg17[%swap3A_163] {strides = array<i32>} : memref<80xi32, #tpu.memory_space<vmem>>, vector<16xi32>,
      %swap3A_165 = vector.shape_cast %swap3A_164 : vector<16xi32> to vector<16xi32>
      %swap3A_166 = vector.shape_cast %select_n3A_162 : vector<16xi32> to vector<16xi32>
      tpu.vector_store %arg17[%swap3A_163], %swap3A_166 {strides = array<i32>} : memref<80xi32, #tpu.memory_space<vmem>>, vector<16xi32>,
      %get3A_167 = arith.constant 16 : index
      %get3A_168 = tpu.vector_load %arg15[%get3A_167] {strides = array<i32>} : memref<80xi32, #tpu.memory_space<vmem>>, vector<16xi32>,
      %get3A_169 = vector.shape_cast %get3A_168 : vector<16xi32> to vector<16xi32>
      %eq3A_170 = vector.broadcast %arg0 : i32 to vector<16xi32>
      %eq3A_171 = arith.cmpi eq, %get3A_169, %eq3A_170 : vector<16xi32>
      %get3A_172 = arith.constant 16 : index
      %get3A_173 = tpu.vector_load %arg13[%get3A_172] {strides = array<i32>} : memref<80xi32, #tpu.memory_space<vmem>>, vector<16xi32>,
      %get3A_174 = vector.shape_cast %get3A_173 : vector<16xi32> to vector<16xi32>
      %jit3A_175 = arith.constant 10000 : i32
      %broadcast_in_dim3A_176 = vector.broadcast %jit3A_175 : i32 to vector<16xi32>
      %select_n3A_177 = arith.select %eq3A_171, %get3A_174, %broadcast_in_dim3A_176 : vector<16xi1>, vector<16xi32>
      %swap3A_178 = arith.constant 16 : index
      %swap3A_179 = tpu.vector_load %arg17[%swap3A_178] {strides = array<i32>} : memref<80xi32, #tpu.memory_space<vmem>>, vector<16xi32>,
      %swap3A_180 = vector.shape_cast %swap3A_179 : vector<16xi32> to vector<16xi32>
      %swap3A_181 = vector.shape_cast %select_n3A_177 : vector<16xi32> to vector<16xi32>
      tpu.vector_store %arg17[%swap3A_178], %swap3A_181 {strides = array<i32>} : memref<80xi32, #tpu.memory_space<vmem>>, vector<16xi32>,
      %get3A_182 = arith.constant 32 : index
      %get3A_183 = tpu.vector_load %arg15[%get3A_182] {strides = array<i32>} : memref<80xi32, #tpu.memory_space<vmem>>, vector<16xi32>,
      %get3A_184 = vector.shape_cast %get3A_183 : vector<16xi32> to vector<16xi32>
      %eq3A_185 = vector.broadcast %arg0 : i32 to vector<16xi32>
      %eq3A_186 = arith.cmpi eq, %get3A_184, %eq3A_185 : vector<16xi32>
      %get3A_187 = arith.constant 32 : index
      %get3A_188 = tpu.vector_load %arg13[%get3A_187] {strides = array<i32>} : memref<80xi32, #tpu.memory_space<vmem>>, vector<16xi32>,
      %get3A_189 = vector.shape_cast %get3A_188 : vector<16xi32> to vector<16xi32>
      %jit3A_190 = arith.constant 10000 : i32
      %broadcast_in_dim3A_191 = vector.broadcast %jit3A_190 : i32 to vector<16xi32>
      %select_n3A_192 = arith.select %eq3A_186, %get3A_189, %broadcast_in_dim3A_191 : vector<16xi1>, vector<16xi32>
      %swap3A_193 = arith.constant 32 : index
      %swap3A_194 = tpu.vector_load %arg17[%swap3A_193] {strides = array<i32>} : memref<80xi32, #tpu.memory_space<vmem>>, vector<16xi32>,
      %swap3A_195 = vector.shape_cast %swap3A_194 : vector<16xi32> to vector<16xi32>
      %swap3A_196 = vector.shape_cast %select_n3A_192 : vector<16xi32> to vector<16xi32>
      tpu.vector_store %arg17[%swap3A_193], %swap3A_196 {strides = array<i32>} : memref<80xi32, #tpu.memory_space<vmem>>, vector<16xi32>,
      %get3A_197 = arith.constant 48 : index
      %get3A_198 = tpu.vector_load %arg15[%get3A_197] {strides = array<i32>} : memref<80xi32, #tpu.memory_space<vmem>>, vector<16xi32>,
      %get3A_199 = vector.shape_cast %get3A_198 : vector<16xi32> to vector<16xi32>
      %eq3A_200 = vector.broadcast %arg0 : i32 to vector<16xi32>
      %eq3A_201 = arith.cmpi eq, %get3A_199, %eq3A_200 : vector<16xi32>
      %get3A_202 = arith.constant 48 : index
      %get3A_203 = tpu.vector_load %arg13[%get3A_202] {strides = array<i32>} : memref<80xi32, #tpu.memory_space<vmem>>, vector<16xi32>,
      %get3A_204 = vector.shape_cast %get3A_203 : vector<16xi32> to vector<16xi32>
      %jit3A_205 = arith.constant 10000 : i32
      %broadcast_in_dim3A_206 = vector.broadcast %jit3A_205 : i32 to vector<16xi32>
      %select_n3A_207 = arith.select %eq3A_201, %get3A_204, %broadcast_in_dim3A_206 : vector<16xi1>, vector<16xi32>
      %swap3A_208 = arith.constant 48 : index
      %swap3A_209 = tpu.vector_load %arg17[%swap3A_208] {strides = array<i32>} : memref<80xi32, #tpu.memory_space<vmem>>, vector<16xi32>,
      %swap3A_210 = vector.shape_cast %swap3A_209 : vector<16xi32> to vector<16xi32>
      %swap3A_211 = vector.shape_cast %select_n3A_207 : vector<16xi32> to vector<16xi32>
      tpu.vector_store %arg17[%swap3A_208], %swap3A_211 {strides = array<i32>} : memref<80xi32, #tpu.memory_space<vmem>>, vector<16xi32>,
      %get3A_212 = arith.constant 64 : index
      %get3A_213 = tpu.vector_load %arg15[%get3A_212] {strides = array<i32>} : memref<80xi32, #tpu.memory_space<vmem>>, vector<16xi32>,
      %get3A_214 = vector.shape_cast %get3A_213 : vector<16xi32> to vector<16xi32>
      %eq3A_215 = vector.broadcast %arg0 : i32 to vector<16xi32>
      %eq3A_216 = arith.cmpi eq, %get3A_214, %eq3A_215 : vector<16xi32>
      %get3A_217 = arith.constant 64 : index
      %get3A_218 = tpu.vector_load %arg13[%get3A_217] {strides = array<i32>} : memref<80xi32, #tpu.memory_space<vmem>>, vector<16xi32>,
      %get3A_219 = vector.shape_cast %get3A_218 : vector<16xi32> to vector<16xi32>
      %jit3A_220 = arith.constant 10000 : i32
      %broadcast_in_dim3A_221 = vector.broadcast %jit3A_220 : i32 to vector<16xi32>
      %select_n3A_222 = arith.select %eq3A_216, %get3A_219, %broadcast_in_dim3A_221 : vector<16xi1>, vector<16xi32>
      %swap3A_223 = arith.constant 64 : index
      %swap3A_224 = tpu.vector_load %arg17[%swap3A_223] {strides = array<i32>} : memref<80xi32, #tpu.memory_space<vmem>>, vector<16xi32>,
      %swap3A_225 = vector.shape_cast %swap3A_224 : vector<16xi32> to vector<16xi32>
      %swap3A_226 = vector.shape_cast %select_n3A_222 : vector<16xi32> to vector<16xi32>
      tpu.vector_store %arg17[%swap3A_223], %swap3A_226 {strides = array<i32>} : memref<80xi32, #tpu.memory_space<vmem>>, vector<16xi32>,
      %dma_start3A_227 = arith.constant 0 : i32
      %dma_start3A_228 = arith.constant 0 : i32
      %dma_start3A_229 = tpu.memref_slice %arg9[%dma_start3A_227, %dma_start3A_228] : memref<10240x128xf32, #tpu.memory_space<vmem_shared>> -> memref<10240x128xf32, #tpu.memory_space<vmem_shared>>
      tpu.enqueue_indirect_dma source(%arg11 : memref<80x128xf32, #tpu.memory_space<vmem>>) target(%dma_start3A_229 : memref<10240x128xf32, #tpu.memory_space<vmem_shared>>) offsets(%arg17 : memref<80xi32, #tpu.memory_space<vmem>>) semaphore(%arg23 : memref<!tpu.dma_semaphore, #tpu.memory_space<semaphore_mem>>) {add = true}
    }
    %scan3A_7 = arith.constant 125 : i32
    %dma_wait3A = arith.constant 0 : i32
    %dma_wait3A_8 = arith.constant 0 : i32
    %dma_wait3A_9 = tpu.memref_slice %arg9[%dma_wait3A, %dma_wait3A_8] : memref<10240x128xf32, #tpu.memory_space<vmem_shared>> -> memref<10240x128xf32, #tpu.memory_space<vmem_shared>>
    tpu.wait_indirect_dma semaphore(%arg22 : memref<!tpu.dma_semaphore, #tpu.memory_space<semaphore_mem>>) src(%arg10 : memref<80x128xf32, #tpu.memory_space<vmem>>) dst(%dma_wait3A_9 : memref<10240x128xf32, #tpu.memory_space<vmem_shared>>)
    %dma_wait3A_10 = arith.constant 0 : i32
    %dma_wait3A_11 = arith.constant 0 : i32
    %dma_wait3A_12 = tpu.memref_slice %arg9[%dma_wait3A_10, %dma_wait3A_11] : memref<10240x128xf32, #tpu.memory_space<vmem_shared>> -> memref<10240x128xf32, #tpu.memory_space<vmem_shared>>
    tpu.wait_indirect_dma semaphore(%arg23 : memref<!tpu.dma_semaphore, #tpu.memory_space<semaphore_mem>>) src(%arg11 : memref<80x128xf32, #tpu.memory_space<vmem>>) dst(%dma_wait3A_12 : memref<10240x128xf32, #tpu.memory_space<vmem_shared>>)
    %barrier3A_13 = arith.constant 0 : index
    tpu.barrier barrier_id(%barrier3A_13)
    "tpu.region"() ({
      %run_scoped3A = tpu.sem_alloc : memref<!tpu.dma_semaphore, #tpu.memory_space<semaphore_mem>>
      %dma_start3A = arith.constant 0 : i32
      %dma_start3A_14 = tpu.memref_slice %arg7[%arg0, %mul3A_0, %dma_start3A] : memref<2x10240x128xf32, #tpu.memory_space<hbm>> -> memref<1x640x128xf32, #tpu.memory_space<hbm>>
      %dma_start3A_15 = tpu.memref_squeeze %dma_start3A_14 : memref<1x640x128xf32, #tpu.memory_space<hbm>> -> memref<640x128xf32, #tpu.memory_space<hbm>>
      %dma_start3A_16 = arith.constant 0 : i32
      %dma_start3A_17 = tpu.memref_slice %arg9[%mul3A_0, %dma_start3A_16] : memref<10240x128xf32, #tpu.memory_space<vmem_shared>> -> memref<640x128xf32, #tpu.memory_space<vmem_shared>>
      tpu.enqueue_dma source(%dma_start3A_17 : memref<640x128xf32, #tpu.memory_space<vmem_shared>>) target(%dma_start3A_15 : memref<640x128xf32, #tpu.memory_space<hbm>>) target_semaphore(%run_scoped3A : memref<!tpu.dma_semaphore, #tpu.memory_space<semaphore_mem>>)
      %dma_wait3A_18 = arith.constant 0 : i32
      %dma_wait3A_19 = tpu.memref_slice %arg7[%arg0, %mul3A_0, %dma_wait3A_18] : memref<2x10240x128xf32, #tpu.memory_space<hbm>> -> memref<1x640x128xf32, #tpu.memory_space<hbm>>
      %dma_wait3A_20 = tpu.memref_squeeze %dma_wait3A_19 : memref<1x640x128xf32, #tpu.memory_space<hbm>> -> memref<640x128xf32, #tpu.memory_space<hbm>>
      %dma_wait3A_21 = arith.constant 0 : i32
      %dma_wait3A_22 = tpu.memref_slice %arg9[%mul3A_0, %dma_wait3A_21] : memref<10240x128xf32, #tpu.memory_space<vmem_shared>> -> memref<640x128xf32, #tpu.memory_space<vmem_shared>>
      tpu.wait_dma2 semaphore(%run_scoped3A : memref<!tpu.dma_semaphore, #tpu.memory_space<semaphore_mem>>) src(%dma_wait3A_22 : memref<640x128xf32, #tpu.memory_space<vmem_shared>>) dst(%dma_wait3A_20 : memref<640x128xf32, #tpu.memory_space<hbm>>)
      tpu.yield
    }) : () -> ()
    return
  }
}

#map = affine_map<(d0, d1) -> (0, 0)>
#map1 = affine_map<(d0, d1) -> (0)>
#map2 = affine_map<(d0, d1) -> (0, 0, 0)>
module attributes {stable_mosaic.version = 14 : i64} {
  func.func @sc_agg(%arg0: i32, %arg1: i32, %arg2: memref<10000x128xf32, #tpu.memory_space<hbm>>, %arg3: memref<320000xi32, #tpu.memory_space<hbm>>, %arg4: memref<320000xi32, #tpu.memory_space<hbm>>, %arg5: memref<320000xi32, #tpu.memory_space<hbm>>, %arg6: memref<80x128xf32, #tpu.memory_space<hbm>>, %arg7: memref<640x128xf32, #tpu.memory_space<hbm>>, %arg8: memref<2x10240x128xf32, #tpu.memory_space<hbm>>, %arg9: memref<2x10240x128xf32, #tpu.memory_space<hbm>>, %arg10: memref<20000xi32, #tpu.memory_space<vmem>>, %arg11: memref<10240x128xf32, #tpu.memory_space<vmem_shared>>, %arg12: memref<80x128xf32, #tpu.memory_space<vmem>>, %arg13: memref<80x128xf32, #tpu.memory_space<vmem>>, %arg14: memref<80xi32, #tpu.memory_space<vmem>>, %arg15: memref<80xi32, #tpu.memory_space<vmem>>, %arg16: memref<80xi32, #tpu.memory_space<vmem>>, %arg17: memref<80xi32, #tpu.memory_space<vmem>>, %arg18: memref<80xi32, #tpu.memory_space<vmem>>, %arg19: memref<80xi32, #tpu.memory_space<vmem>>, %arg20: memref<!tpu.dma_semaphore, #tpu.memory_space<semaphore_mem>>, %arg21: memref<!tpu.dma_semaphore, #tpu.memory_space<semaphore_mem>>, %arg22: memref<!tpu.dma_semaphore, #tpu.memory_space<semaphore_mem>>, %arg23: memref<!tpu.dma_semaphore, #tpu.memory_space<semaphore_mem>>, %arg24: memref<!tpu.dma_semaphore, #tpu.memory_space<semaphore_mem>>, %arg25: memref<!tpu.dma_semaphore, #tpu.memory_space<semaphore_mem>>) attributes {dimension_semantics = [#tpu.dimension_semantics<core_parallel>, #tpu.dimension_semantics<subcore_parallel>], iteration_bounds = array<i64: 2, 16>, scalar_prefetch = 0 : i64, scratch_operands = 16 : i64, tpu.core_type = #tpu.core_type<sc_vector_subcore>, window_params = [{transform_indices = #map}, {transform_indices = #map1}, {transform_indices = #map1}, {transform_indices = #map1}, {transform_indices = #map}, {transform_indices = #map}, {transform_indices = #map2}, {transform_indices = #map2}]} {
    %mul3A = arith.constant 640 : i32
    %mul3A_0 = arith.muli %arg1, %mul3A : i32
    %mul3A_1 = arith.constant 20000 : i32
    %mul3A_2 = arith.muli %arg1, %mul3A_1 : i32
    "tpu.region"() ({
      %run_scoped3A = tpu.sem_alloc : memref<!tpu.dma_semaphore, #tpu.memory_space<semaphore_mem>>
      %dma_start3A = tpu.memref_slice %arg3[%mul3A_2] : memref<320000xi32, #tpu.memory_space<hbm>> -> memref<20000xi32, #tpu.memory_space<hbm>>
      %dma_start3A_29 = tpu.memref_slice %arg3[%mul3A_2] : memref<320000xi32, #tpu.memory_space<hbm>> -> memref<20000xi32, #tpu.memory_space<hbm>>
      tpu.enqueue_dma source(%dma_start3A_29 : memref<20000xi32, #tpu.memory_space<hbm>>) target(%arg10 : memref<20000xi32, #tpu.memory_space<vmem>>) target_semaphore(%run_scoped3A : memref<!tpu.dma_semaphore, #tpu.memory_space<semaphore_mem>>)
      %dma_wait3A_30 = tpu.memref_slice %arg3[%mul3A_2] : memref<320000xi32, #tpu.memory_space<hbm>> -> memref<20000xi32, #tpu.memory_space<hbm>>
      %dma_wait3A_31 = tpu.memref_slice %arg3[%mul3A_2] : memref<320000xi32, #tpu.memory_space<hbm>> -> memref<20000xi32, #tpu.memory_space<hbm>>
      tpu.wait_dma2 semaphore(%run_scoped3A : memref<!tpu.dma_semaphore, #tpu.memory_space<semaphore_mem>>) src(%dma_wait3A_31 : memref<20000xi32, #tpu.memory_space<hbm>>) dst(%arg10 : memref<20000xi32, #tpu.memory_space<vmem>>)
      tpu.yield
    }) : () -> ()
    "tpu.region"() ({
      %run_scoped3A = tpu.sem_alloc : memref<!tpu.dma_semaphore, #tpu.memory_space<semaphore_mem>>
      %dma_start3A = arith.constant 0 : i32
      %dma_start3A_29 = tpu.memref_slice %arg11[%mul3A_0, %dma_start3A] : memref<10240x128xf32, #tpu.memory_space<vmem_shared>> -> memref<640x128xf32, #tpu.memory_space<vmem_shared>>
      tpu.enqueue_dma source(%arg7 : memref<640x128xf32, #tpu.memory_space<hbm>>) target(%dma_start3A_29 : memref<640x128xf32, #tpu.memory_space<vmem_shared>>) target_semaphore(%run_scoped3A : memref<!tpu.dma_semaphore, #tpu.memory_space<semaphore_mem>>)
      %dma_wait3A_30 = arith.constant 0 : i32
      %dma_wait3A_31 = tpu.memref_slice %arg11[%mul3A_0, %dma_wait3A_30] : memref<10240x128xf32, #tpu.memory_space<vmem_shared>> -> memref<640x128xf32, #tpu.memory_space<vmem_shared>>
      tpu.wait_dma2 semaphore(%run_scoped3A : memref<!tpu.dma_semaphore, #tpu.memory_space<semaphore_mem>>) src(%arg7 : memref<640x128xf32, #tpu.memory_space<hbm>>) dst(%dma_wait3A_31 : memref<640x128xf32, #tpu.memory_space<vmem_shared>>)
      tpu.yield
    }) : () -> ()
    %barrier3A = arith.constant 0 : index
    tpu.barrier barrier_id(%barrier3A)
    %scan3A = arith.constant 0 : i32
    %scan3A_3 = arith.constant 0 : i32
    %scan3A_4 = arith.constant 125 : i32
    %scan3A_5 = arith.addi %scan3A_3, %scan3A_4 : i32
    %scan3A_6 = arith.constant 1 : i32
    scf.for %scan3A_29 = %scan3A_3 to %scan3A_5 step %scan3A_6  : i32 {
      %mul3A_30 = arith.constant 2 : i32
      %mul3A_31 = arith.muli %scan3A_29, %mul3A_30 : i32
      %add3A = arith.constant 0 : i32
      %add3A_32 = arith.addi %mul3A_31, %add3A : i32
      %mul3A_33 = arith.constant 80 : i32
      %mul3A_34 = arith.muli %add3A_32, %mul3A_33 : i32
      %gt3A = arith.constant 0 : i32
      %gt3A_35 = arith.cmpi sgt, %scan3A_29, %gt3A : i32
      %convert_element_type3A = arith.extui %gt3A_35 : i1 to i32
      %cond3A = arith.constant 0 : i32
      %cond3A_36 = arith.cmpi ne, %convert_element_type3A, %cond3A : i32
      scf.if %cond3A_36 {
        %dma_wait3A_245 = arith.constant 0 : i32
        %dma_wait3A_246 = arith.constant 0 : i32
        %dma_wait3A_247 = tpu.memref_slice %arg11[%dma_wait3A_245, %dma_wait3A_246] : memref<10240x128xf32, #tpu.memory_space<vmem_shared>> -> memref<10240x128xf32, #tpu.memory_space<vmem_shared>>
        tpu.wait_indirect_dma semaphore(%arg24 : memref<!tpu.dma_semaphore, #tpu.memory_space<semaphore_mem>>) src(%arg12 : memref<80x128xf32, #tpu.memory_space<vmem>>) dst(%dma_wait3A_247 : memref<10240x128xf32, #tpu.memory_space<vmem_shared>>)
      } else {
      }
      %add3A_37 = arith.addi %mul3A_2, %mul3A_34 : i32
      %dma_start3A = tpu.memref_slice %arg4[%add3A_37] : memref<320000xi32, #tpu.memory_space<hbm>> -> memref<80xi32, #tpu.memory_space<hbm>>
      %dma_start3A_38 = tpu.memref_slice %arg4[%add3A_37] : memref<320000xi32, #tpu.memory_space<hbm>> -> memref<80xi32, #tpu.memory_space<hbm>>
      tpu.enqueue_dma source(%dma_start3A_38 : memref<80xi32, #tpu.memory_space<hbm>>) target(%arg14 : memref<80xi32, #tpu.memory_space<vmem>>) target_semaphore(%arg20 : memref<!tpu.dma_semaphore, #tpu.memory_space<semaphore_mem>>)
      %add3A_39 = arith.addi %mul3A_2, %mul3A_34 : i32
      %dma_start3A_40 = tpu.memref_slice %arg5[%add3A_39] : memref<320000xi32, #tpu.memory_space<hbm>> -> memref<80xi32, #tpu.memory_space<hbm>>
      %dma_start3A_41 = tpu.memref_slice %arg5[%add3A_39] : memref<320000xi32, #tpu.memory_space<hbm>> -> memref<80xi32, #tpu.memory_space<hbm>>
      tpu.enqueue_dma source(%dma_start3A_41 : memref<80xi32, #tpu.memory_space<hbm>>) target(%arg16 : memref<80xi32, #tpu.memory_space<vmem>>) target_semaphore(%arg20 : memref<!tpu.dma_semaphore, #tpu.memory_space<semaphore_mem>>)
      %dma_start3A_42 = tpu.memref_slice %arg10[%mul3A_34] : memref<20000xi32, #tpu.memory_space<vmem>> -> memref<80xi32, #tpu.memory_space<vmem>>
      %dma_start3A_43 = arith.constant 0 : i32
      %dma_start3A_44 = arith.constant 0 : i32
      %dma_start3A_45 = tpu.memref_slice %arg2[%dma_start3A_43, %dma_start3A_44] : memref<10000x128xf32, #tpu.memory_space<hbm>> -> memref<10000x128xf32, #tpu.memory_space<hbm>>
      tpu.enqueue_indirect_dma source(%dma_start3A_45 : memref<10000x128xf32, #tpu.memory_space<hbm>>) target(%arg12 : memref<80x128xf32, #tpu.memory_space<vmem>>) offsets(%dma_start3A_42 : memref<80xi32, #tpu.memory_space<vmem>>) semaphore(%arg22 : memref<!tpu.dma_semaphore, #tpu.memory_space<semaphore_mem>>)
      %add3A_46 = arith.constant 1 : i32
      %add3A_47 = arith.addi %mul3A_31, %add3A_46 : i32
      %mul3A_48 = arith.constant 80 : i32
      %mul3A_49 = arith.muli %add3A_47, %mul3A_48 : i32
      %gt3A_50 = arith.constant 0 : i32
      %gt3A_51 = arith.cmpi sgt, %scan3A_29, %gt3A_50 : i32
      %convert_element_type3A_52 = arith.extui %gt3A_51 : i1 to i32
      %cond3A_53 = arith.constant 0 : i32
      %cond3A_54 = arith.cmpi ne, %convert_element_type3A_52, %cond3A_53 : i32
      scf.if %cond3A_54 {
        %dma_wait3A_245 = arith.constant 0 : i32
        %dma_wait3A_246 = arith.constant 0 : i32
        %dma_wait3A_247 = tpu.memref_slice %arg11[%dma_wait3A_245, %dma_wait3A_246] : memref<10240x128xf32, #tpu.memory_space<vmem_shared>> -> memref<10240x128xf32, #tpu.memory_space<vmem_shared>>
        tpu.wait_indirect_dma semaphore(%arg25 : memref<!tpu.dma_semaphore, #tpu.memory_space<semaphore_mem>>) src(%arg13 : memref<80x128xf32, #tpu.memory_space<vmem>>) dst(%dma_wait3A_247 : memref<10240x128xf32, #tpu.memory_space<vmem_shared>>)
      } else {
      }
      %add3A_55 = arith.addi %mul3A_2, %mul3A_49 : i32
      %dma_start3A_56 = tpu.memref_slice %arg4[%add3A_55] : memref<320000xi32, #tpu.memory_space<hbm>> -> memref<80xi32, #tpu.memory_space<hbm>>
      %dma_start3A_57 = tpu.memref_slice %arg4[%add3A_55] : memref<320000xi32, #tpu.memory_space<hbm>> -> memref<80xi32, #tpu.memory_space<hbm>>
      tpu.enqueue_dma source(%dma_start3A_57 : memref<80xi32, #tpu.memory_space<hbm>>) target(%arg15 : memref<80xi32, #tpu.memory_space<vmem>>) target_semaphore(%arg21 : memref<!tpu.dma_semaphore, #tpu.memory_space<semaphore_mem>>)
      %add3A_58 = arith.addi %mul3A_2, %mul3A_49 : i32
      %dma_start3A_59 = tpu.memref_slice %arg5[%add3A_58] : memref<320000xi32, #tpu.memory_space<hbm>> -> memref<80xi32, #tpu.memory_space<hbm>>
      %dma_start3A_60 = tpu.memref_slice %arg5[%add3A_58] : memref<320000xi32, #tpu.memory_space<hbm>> -> memref<80xi32, #tpu.memory_space<hbm>>
      tpu.enqueue_dma source(%dma_start3A_60 : memref<80xi32, #tpu.memory_space<hbm>>) target(%arg17 : memref<80xi32, #tpu.memory_space<vmem>>) target_semaphore(%arg21 : memref<!tpu.dma_semaphore, #tpu.memory_space<semaphore_mem>>)
      %dma_start3A_61 = tpu.memref_slice %arg10[%mul3A_49] : memref<20000xi32, #tpu.memory_space<vmem>> -> memref<80xi32, #tpu.memory_space<vmem>>
      %dma_start3A_62 = arith.constant 0 : i32
      %dma_start3A_63 = arith.constant 0 : i32
      %dma_start3A_64 = tpu.memref_slice %arg2[%dma_start3A_62, %dma_start3A_63] : memref<10000x128xf32, #tpu.memory_space<hbm>> -> memref<10000x128xf32, #tpu.memory_space<hbm>>
      tpu.enqueue_indirect_dma source(%dma_start3A_64 : memref<10000x128xf32, #tpu.memory_space<hbm>>) target(%arg13 : memref<80x128xf32, #tpu.memory_space<vmem>>) offsets(%dma_start3A_61 : memref<80xi32, #tpu.memory_space<vmem>>) semaphore(%arg23 : memref<!tpu.dma_semaphore, #tpu.memory_space<semaphore_mem>>)
      %mul3A_65 = arith.constant 2 : i32
      %mul3A_66 = arith.muli %scan3A_29, %mul3A_65 : i32
      %add3A_67 = arith.constant 0 : i32
      %add3A_68 = arith.addi %mul3A_66, %add3A_67 : i32
      %mul3A_69 = arith.constant 80 : i32
      %mul3A_70 = arith.muli %add3A_68, %mul3A_69 : i32
      %add3A_71 = arith.addi %mul3A_2, %mul3A_70 : i32
      %dma_wait3A_72 = tpu.memref_slice %arg4[%add3A_71] : memref<320000xi32, #tpu.memory_space<hbm>> -> memref<80xi32, #tpu.memory_space<hbm>>
      %dma_wait3A_73 = tpu.memref_slice %arg4[%add3A_71] : memref<320000xi32, #tpu.memory_space<hbm>> -> memref<80xi32, #tpu.memory_space<hbm>>
      tpu.wait_dma2 semaphore(%arg20 : memref<!tpu.dma_semaphore, #tpu.memory_space<semaphore_mem>>) src(%dma_wait3A_73 : memref<80xi32, #tpu.memory_space<hbm>>) dst(%arg14 : memref<80xi32, #tpu.memory_space<vmem>>)
      %add3A_74 = arith.addi %mul3A_2, %mul3A_70 : i32
      %dma_wait3A_75 = tpu.memref_slice %arg5[%add3A_74] : memref<320000xi32, #tpu.memory_space<hbm>> -> memref<80xi32, #tpu.memory_space<hbm>>
      %dma_wait3A_76 = tpu.memref_slice %arg5[%add3A_74] : memref<320000xi32, #tpu.memory_space<hbm>> -> memref<80xi32, #tpu.memory_space<hbm>>
      tpu.wait_dma2 semaphore(%arg20 : memref<!tpu.dma_semaphore, #tpu.memory_space<semaphore_mem>>) src(%dma_wait3A_76 : memref<80xi32, #tpu.memory_space<hbm>>) dst(%arg16 : memref<80xi32, #tpu.memory_space<vmem>>)
      %dma_wait3A_77 = tpu.memref_slice %arg10[%mul3A_70] : memref<20000xi32, #tpu.memory_space<vmem>> -> memref<80xi32, #tpu.memory_space<vmem>>
      %dma_wait3A_78 = arith.constant 0 : i32
      %dma_wait3A_79 = arith.constant 0 : i32
      %dma_wait3A_80 = tpu.memref_slice %arg2[%dma_wait3A_78, %dma_wait3A_79] : memref<10000x128xf32, #tpu.memory_space<hbm>> -> memref<10000x128xf32, #tpu.memory_space<hbm>>
      tpu.wait_indirect_dma semaphore(%arg22 : memref<!tpu.dma_semaphore, #tpu.memory_space<semaphore_mem>>) src(%dma_wait3A_80 : memref<10000x128xf32, #tpu.memory_space<hbm>>) dst(%arg12 : memref<80x128xf32, #tpu.memory_space<vmem>>)
      %get3A = arith.constant 0 : index
      %get3A_81 = tpu.vector_load %arg16[%get3A] {strides = array<i32>} : memref<80xi32, #tpu.memory_space<vmem>>, vector<16xi32>,
      %get3A_82 = vector.shape_cast %get3A_81 : vector<16xi32> to vector<16xi32>
      %eq3A = vector.broadcast %arg0 : i32 to vector<16xi32>
      %eq3A_83 = arith.cmpi eq, %get3A_82, %eq3A : vector<16xi32>
      %get3A_84 = arith.constant 0 : index
      %get3A_85 = tpu.vector_load %arg14[%get3A_84] {strides = array<i32>} : memref<80xi32, #tpu.memory_space<vmem>>, vector<16xi32>,
      %get3A_86 = vector.shape_cast %get3A_85 : vector<16xi32> to vector<16xi32>
      %jit3A = arith.constant 10000 : i32
      %broadcast_in_dim3A = vector.broadcast %jit3A : i32 to vector<16xi32>
      %select_n3A = arith.select %eq3A_83, %get3A_86, %broadcast_in_dim3A : vector<16xi1>, vector<16xi32>
      %swap3A = arith.constant 0 : index
      %swap3A_87 = tpu.vector_load %arg18[%swap3A] {strides = array<i32>} : memref<80xi32, #tpu.memory_space<vmem>>, vector<16xi32>,
      %swap3A_88 = vector.shape_cast %swap3A_87 : vector<16xi32> to vector<16xi32>
      %swap3A_89 = vector.shape_cast %select_n3A : vector<16xi32> to vector<16xi32>
      tpu.vector_store %arg18[%swap3A], %swap3A_89 {strides = array<i32>} : memref<80xi32, #tpu.memory_space<vmem>>, vector<16xi32>,
      %get3A_90 = arith.constant 16 : index
      %get3A_91 = tpu.vector_load %arg16[%get3A_90] {strides = array<i32>} : memref<80xi32, #tpu.memory_space<vmem>>, vector<16xi32>,
      %get3A_92 = vector.shape_cast %get3A_91 : vector<16xi32> to vector<16xi32>
      %eq3A_93 = vector.broadcast %arg0 : i32 to vector<16xi32>
      %eq3A_94 = arith.cmpi eq, %get3A_92, %eq3A_93 : vector<16xi32>
      %get3A_95 = arith.constant 16 : index
      %get3A_96 = tpu.vector_load %arg14[%get3A_95] {strides = array<i32>} : memref<80xi32, #tpu.memory_space<vmem>>, vector<16xi32>,
      %get3A_97 = vector.shape_cast %get3A_96 : vector<16xi32> to vector<16xi32>
      %jit3A_98 = arith.constant 10000 : i32
      %broadcast_in_dim3A_99 = vector.broadcast %jit3A_98 : i32 to vector<16xi32>
      %select_n3A_100 = arith.select %eq3A_94, %get3A_97, %broadcast_in_dim3A_99 : vector<16xi1>, vector<16xi32>
      %swap3A_101 = arith.constant 16 : index
      %swap3A_102 = tpu.vector_load %arg18[%swap3A_101] {strides = array<i32>} : memref<80xi32, #tpu.memory_space<vmem>>, vector<16xi32>,
      %swap3A_103 = vector.shape_cast %swap3A_102 : vector<16xi32> to vector<16xi32>
      %swap3A_104 = vector.shape_cast %select_n3A_100 : vector<16xi32> to vector<16xi32>
      tpu.vector_store %arg18[%swap3A_101], %swap3A_104 {strides = array<i32>} : memref<80xi32, #tpu.memory_space<vmem>>, vector<16xi32>,
      %get3A_105 = arith.constant 32 : index
      %get3A_106 = tpu.vector_load %arg16[%get3A_105] {strides = array<i32>} : memref<80xi32, #tpu.memory_space<vmem>>, vector<16xi32>,
      %get3A_107 = vector.shape_cast %get3A_106 : vector<16xi32> to vector<16xi32>
      %eq3A_108 = vector.broadcast %arg0 : i32 to vector<16xi32>
      %eq3A_109 = arith.cmpi eq, %get3A_107, %eq3A_108 : vector<16xi32>
      %get3A_110 = arith.constant 32 : index
      %get3A_111 = tpu.vector_load %arg14[%get3A_110] {strides = array<i32>} : memref<80xi32, #tpu.memory_space<vmem>>, vector<16xi32>,
      %get3A_112 = vector.shape_cast %get3A_111 : vector<16xi32> to vector<16xi32>
      %jit3A_113 = arith.constant 10000 : i32
      %broadcast_in_dim3A_114 = vector.broadcast %jit3A_113 : i32 to vector<16xi32>
      %select_n3A_115 = arith.select %eq3A_109, %get3A_112, %broadcast_in_dim3A_114 : vector<16xi1>, vector<16xi32>
      %swap3A_116 = arith.constant 32 : index
      %swap3A_117 = tpu.vector_load %arg18[%swap3A_116] {strides = array<i32>} : memref<80xi32, #tpu.memory_space<vmem>>, vector<16xi32>,
      %swap3A_118 = vector.shape_cast %swap3A_117 : vector<16xi32> to vector<16xi32>
      %swap3A_119 = vector.shape_cast %select_n3A_115 : vector<16xi32> to vector<16xi32>
      tpu.vector_store %arg18[%swap3A_116], %swap3A_119 {strides = array<i32>} : memref<80xi32, #tpu.memory_space<vmem>>, vector<16xi32>,
      %get3A_120 = arith.constant 48 : index
      %get3A_121 = tpu.vector_load %arg16[%get3A_120] {strides = array<i32>} : memref<80xi32, #tpu.memory_space<vmem>>, vector<16xi32>,
      %get3A_122 = vector.shape_cast %get3A_121 : vector<16xi32> to vector<16xi32>
      %eq3A_123 = vector.broadcast %arg0 : i32 to vector<16xi32>
      %eq3A_124 = arith.cmpi eq, %get3A_122, %eq3A_123 : vector<16xi32>
      %get3A_125 = arith.constant 48 : index
      %get3A_126 = tpu.vector_load %arg14[%get3A_125] {strides = array<i32>} : memref<80xi32, #tpu.memory_space<vmem>>, vector<16xi32>,
      %get3A_127 = vector.shape_cast %get3A_126 : vector<16xi32> to vector<16xi32>
      %jit3A_128 = arith.constant 10000 : i32
      %broadcast_in_dim3A_129 = vector.broadcast %jit3A_128 : i32 to vector<16xi32>
      %select_n3A_130 = arith.select %eq3A_124, %get3A_127, %broadcast_in_dim3A_129 : vector<16xi1>, vector<16xi32>
      %swap3A_131 = arith.constant 48 : index
      %swap3A_132 = tpu.vector_load %arg18[%swap3A_131] {strides = array<i32>} : memref<80xi32, #tpu.memory_space<vmem>>, vector<16xi32>,
      %swap3A_133 = vector.shape_cast %swap3A_132 : vector<16xi32> to vector<16xi32>
      %swap3A_134 = vector.shape_cast %select_n3A_130 : vector<16xi32> to vector<16xi32>
      tpu.vector_store %arg18[%swap3A_131], %swap3A_134 {strides = array<i32>} : memref<80xi32, #tpu.memory_space<vmem>>, vector<16xi32>,
      %get3A_135 = arith.constant 64 : index
      %get3A_136 = tpu.vector_load %arg16[%get3A_135] {strides = array<i32>} : memref<80xi32, #tpu.memory_space<vmem>>, vector<16xi32>,
      %get3A_137 = vector.shape_cast %get3A_136 : vector<16xi32> to vector<16xi32>
      %eq3A_138 = vector.broadcast %arg0 : i32 to vector<16xi32>
      %eq3A_139 = arith.cmpi eq, %get3A_137, %eq3A_138 : vector<16xi32>
      %get3A_140 = arith.constant 64 : index
      %get3A_141 = tpu.vector_load %arg14[%get3A_140] {strides = array<i32>} : memref<80xi32, #tpu.memory_space<vmem>>, vector<16xi32>,
      %get3A_142 = vector.shape_cast %get3A_141 : vector<16xi32> to vector<16xi32>
      %jit3A_143 = arith.constant 10000 : i32
      %broadcast_in_dim3A_144 = vector.broadcast %jit3A_143 : i32 to vector<16xi32>
      %select_n3A_145 = arith.select %eq3A_139, %get3A_142, %broadcast_in_dim3A_144 : vector<16xi1>, vector<16xi32>
      %swap3A_146 = arith.constant 64 : index
      %swap3A_147 = tpu.vector_load %arg18[%swap3A_146] {strides = array<i32>} : memref<80xi32, #tpu.memory_space<vmem>>, vector<16xi32>,
      %swap3A_148 = vector.shape_cast %swap3A_147 : vector<16xi32> to vector<16xi32>
      %swap3A_149 = vector.shape_cast %select_n3A_145 : vector<16xi32> to vector<16xi32>
      tpu.vector_store %arg18[%swap3A_146], %swap3A_149 {strides = array<i32>} : memref<80xi32, #tpu.memory_space<vmem>>, vector<16xi32>,
      %dma_start3A_150 = arith.constant 0 : i32
      %dma_start3A_151 = arith.constant 0 : i32
      %dma_start3A_152 = tpu.memref_slice %arg11[%dma_start3A_150, %dma_start3A_151] : memref<10240x128xf32, #tpu.memory_space<vmem_shared>> -> memref<10240x128xf32, #tpu.memory_space<vmem_shared>>
      tpu.enqueue_indirect_dma source(%arg12 : memref<80x128xf32, #tpu.memory_space<vmem>>) target(%dma_start3A_152 : memref<10240x128xf32, #tpu.memory_space<vmem_shared>>) offsets(%arg18 : memref<80xi32, #tpu.memory_space<vmem>>) semaphore(%arg24 : memref<!tpu.dma_semaphore, #tpu.memory_space<semaphore_mem>>) {add = true}
      %add3A_153 = arith.constant 1 : i32
      %add3A_154 = arith.addi %mul3A_66, %add3A_153 : i32
      %mul3A_155 = arith.constant 80 : i32
      %mul3A_156 = arith.muli %add3A_154, %mul3A_155 : i32
      %add3A_157 = arith.addi %mul3A_2, %mul3A_156 : i32
      %dma_wait3A_158 = tpu.memref_slice %arg4[%add3A_157] : memref<320000xi32, #tpu.memory_space<hbm>> -> memref<80xi32, #tpu.memory_space<hbm>>
      %dma_wait3A_159 = tpu.memref_slice %arg4[%add3A_157] : memref<320000xi32, #tpu.memory_space<hbm>> -> memref<80xi32, #tpu.memory_space<hbm>>
      tpu.wait_dma2 semaphore(%arg21 : memref<!tpu.dma_semaphore, #tpu.memory_space<semaphore_mem>>) src(%dma_wait3A_159 : memref<80xi32, #tpu.memory_space<hbm>>) dst(%arg15 : memref<80xi32, #tpu.memory_space<vmem>>)
      %add3A_160 = arith.addi %mul3A_2, %mul3A_156 : i32
      %dma_wait3A_161 = tpu.memref_slice %arg5[%add3A_160] : memref<320000xi32, #tpu.memory_space<hbm>> -> memref<80xi32, #tpu.memory_space<hbm>>
      %dma_wait3A_162 = tpu.memref_slice %arg5[%add3A_160] : memref<320000xi32, #tpu.memory_space<hbm>> -> memref<80xi32, #tpu.memory_space<hbm>>
      tpu.wait_dma2 semaphore(%arg21 : memref<!tpu.dma_semaphore, #tpu.memory_space<semaphore_mem>>) src(%dma_wait3A_162 : memref<80xi32, #tpu.memory_space<hbm>>) dst(%arg17 : memref<80xi32, #tpu.memory_space<vmem>>)
      %dma_wait3A_163 = tpu.memref_slice %arg10[%mul3A_156] : memref<20000xi32, #tpu.memory_space<vmem>> -> memref<80xi32, #tpu.memory_space<vmem>>
      %dma_wait3A_164 = arith.constant 0 : i32
      %dma_wait3A_165 = arith.constant 0 : i32
      %dma_wait3A_166 = tpu.memref_slice %arg2[%dma_wait3A_164, %dma_wait3A_165] : memref<10000x128xf32, #tpu.memory_space<hbm>> -> memref<10000x128xf32, #tpu.memory_space<hbm>>
      tpu.wait_indirect_dma semaphore(%arg23 : memref<!tpu.dma_semaphore, #tpu.memory_space<semaphore_mem>>) src(%dma_wait3A_166 : memref<10000x128xf32, #tpu.memory_space<hbm>>) dst(%arg13 : memref<80x128xf32, #tpu.memory_space<vmem>>)
      %get3A_167 = arith.constant 0 : index
      %get3A_168 = tpu.vector_load %arg17[%get3A_167] {strides = array<i32>} : memref<80xi32, #tpu.memory_space<vmem>>, vector<16xi32>,
      %get3A_169 = vector.shape_cast %get3A_168 : vector<16xi32> to vector<16xi32>
      %eq3A_170 = vector.broadcast %arg0 : i32 to vector<16xi32>
      %eq3A_171 = arith.cmpi eq, %get3A_169, %eq3A_170 : vector<16xi32>
      %get3A_172 = arith.constant 0 : index
      %get3A_173 = tpu.vector_load %arg15[%get3A_172] {strides = array<i32>} : memref<80xi32, #tpu.memory_space<vmem>>, vector<16xi32>,
      %get3A_174 = vector.shape_cast %get3A_173 : vector<16xi32> to vector<16xi32>
      %jit3A_175 = arith.constant 10000 : i32
      %broadcast_in_dim3A_176 = vector.broadcast %jit3A_175 : i32 to vector<16xi32>
      %select_n3A_177 = arith.select %eq3A_171, %get3A_174, %broadcast_in_dim3A_176 : vector<16xi1>, vector<16xi32>
      %swap3A_178 = arith.constant 0 : index
      %swap3A_179 = tpu.vector_load %arg19[%swap3A_178] {strides = array<i32>} : memref<80xi32, #tpu.memory_space<vmem>>, vector<16xi32>,
      %swap3A_180 = vector.shape_cast %swap3A_179 : vector<16xi32> to vector<16xi32>
      %swap3A_181 = vector.shape_cast %select_n3A_177 : vector<16xi32> to vector<16xi32>
      tpu.vector_store %arg19[%swap3A_178], %swap3A_181 {strides = array<i32>} : memref<80xi32, #tpu.memory_space<vmem>>, vector<16xi32>,
      %get3A_182 = arith.constant 16 : index
      %get3A_183 = tpu.vector_load %arg17[%get3A_182] {strides = array<i32>} : memref<80xi32, #tpu.memory_space<vmem>>, vector<16xi32>,
      %get3A_184 = vector.shape_cast %get3A_183 : vector<16xi32> to vector<16xi32>
      %eq3A_185 = vector.broadcast %arg0 : i32 to vector<16xi32>
      %eq3A_186 = arith.cmpi eq, %get3A_184, %eq3A_185 : vector<16xi32>
      %get3A_187 = arith.constant 16 : index
      %get3A_188 = tpu.vector_load %arg15[%get3A_187] {strides = array<i32>} : memref<80xi32, #tpu.memory_space<vmem>>, vector<16xi32>,
      %get3A_189 = vector.shape_cast %get3A_188 : vector<16xi32> to vector<16xi32>
      %jit3A_190 = arith.constant 10000 : i32
      %broadcast_in_dim3A_191 = vector.broadcast %jit3A_190 : i32 to vector<16xi32>
      %select_n3A_192 = arith.select %eq3A_186, %get3A_189, %broadcast_in_dim3A_191 : vector<16xi1>, vector<16xi32>
      %swap3A_193 = arith.constant 16 : index
      %swap3A_194 = tpu.vector_load %arg19[%swap3A_193] {strides = array<i32>} : memref<80xi32, #tpu.memory_space<vmem>>, vector<16xi32>,
      %swap3A_195 = vector.shape_cast %swap3A_194 : vector<16xi32> to vector<16xi32>
      %swap3A_196 = vector.shape_cast %select_n3A_192 : vector<16xi32> to vector<16xi32>
      tpu.vector_store %arg19[%swap3A_193], %swap3A_196 {strides = array<i32>} : memref<80xi32, #tpu.memory_space<vmem>>, vector<16xi32>,
      %get3A_197 = arith.constant 32 : index
      %get3A_198 = tpu.vector_load %arg17[%get3A_197] {strides = array<i32>} : memref<80xi32, #tpu.memory_space<vmem>>, vector<16xi32>,
      %get3A_199 = vector.shape_cast %get3A_198 : vector<16xi32> to vector<16xi32>
      %eq3A_200 = vector.broadcast %arg0 : i32 to vector<16xi32>
      %eq3A_201 = arith.cmpi eq, %get3A_199, %eq3A_200 : vector<16xi32>
      %get3A_202 = arith.constant 32 : index
      %get3A_203 = tpu.vector_load %arg15[%get3A_202] {strides = array<i32>} : memref<80xi32, #tpu.memory_space<vmem>>, vector<16xi32>,
      %get3A_204 = vector.shape_cast %get3A_203 : vector<16xi32> to vector<16xi32>
      %jit3A_205 = arith.constant 10000 : i32
      %broadcast_in_dim3A_206 = vector.broadcast %jit3A_205 : i32 to vector<16xi32>
      %select_n3A_207 = arith.select %eq3A_201, %get3A_204, %broadcast_in_dim3A_206 : vector<16xi1>, vector<16xi32>
      %swap3A_208 = arith.constant 32 : index
      %swap3A_209 = tpu.vector_load %arg19[%swap3A_208] {strides = array<i32>} : memref<80xi32, #tpu.memory_space<vmem>>, vector<16xi32>,
      %swap3A_210 = vector.shape_cast %swap3A_209 : vector<16xi32> to vector<16xi32>
      %swap3A_211 = vector.shape_cast %select_n3A_207 : vector<16xi32> to vector<16xi32>
      tpu.vector_store %arg19[%swap3A_208], %swap3A_211 {strides = array<i32>} : memref<80xi32, #tpu.memory_space<vmem>>, vector<16xi32>,
      %get3A_212 = arith.constant 48 : index
      %get3A_213 = tpu.vector_load %arg17[%get3A_212] {strides = array<i32>} : memref<80xi32, #tpu.memory_space<vmem>>, vector<16xi32>,
      %get3A_214 = vector.shape_cast %get3A_213 : vector<16xi32> to vector<16xi32>
      %eq3A_215 = vector.broadcast %arg0 : i32 to vector<16xi32>
      %eq3A_216 = arith.cmpi eq, %get3A_214, %eq3A_215 : vector<16xi32>
      %get3A_217 = arith.constant 48 : index
      %get3A_218 = tpu.vector_load %arg15[%get3A_217] {strides = array<i32>} : memref<80xi32, #tpu.memory_space<vmem>>, vector<16xi32>,
      %get3A_219 = vector.shape_cast %get3A_218 : vector<16xi32> to vector<16xi32>
      %jit3A_220 = arith.constant 10000 : i32
      %broadcast_in_dim3A_221 = vector.broadcast %jit3A_220 : i32 to vector<16xi32>
      %select_n3A_222 = arith.select %eq3A_216, %get3A_219, %broadcast_in_dim3A_221 : vector<16xi1>, vector<16xi32>
      %swap3A_223 = arith.constant 48 : index
      %swap3A_224 = tpu.vector_load %arg19[%swap3A_223] {strides = array<i32>} : memref<80xi32, #tpu.memory_space<vmem>>, vector<16xi32>,
      %swap3A_225 = vector.shape_cast %swap3A_224 : vector<16xi32> to vector<16xi32>
      %swap3A_226 = vector.shape_cast %select_n3A_222 : vector<16xi32> to vector<16xi32>
      tpu.vector_store %arg19[%swap3A_223], %swap3A_226 {strides = array<i32>} : memref<80xi32, #tpu.memory_space<vmem>>, vector<16xi32>,
      %get3A_227 = arith.constant 64 : index
      %get3A_228 = tpu.vector_load %arg17[%get3A_227] {strides = array<i32>} : memref<80xi32, #tpu.memory_space<vmem>>, vector<16xi32>,
      %get3A_229 = vector.shape_cast %get3A_228 : vector<16xi32> to vector<16xi32>
      %eq3A_230 = vector.broadcast %arg0 : i32 to vector<16xi32>
      %eq3A_231 = arith.cmpi eq, %get3A_229, %eq3A_230 : vector<16xi32>
      %get3A_232 = arith.constant 64 : index
      %get3A_233 = tpu.vector_load %arg15[%get3A_232] {strides = array<i32>} : memref<80xi32, #tpu.memory_space<vmem>>, vector<16xi32>,
      %get3A_234 = vector.shape_cast %get3A_233 : vector<16xi32> to vector<16xi32>
      %jit3A_235 = arith.constant 10000 : i32
      %broadcast_in_dim3A_236 = vector.broadcast %jit3A_235 : i32 to vector<16xi32>
      %select_n3A_237 = arith.select %eq3A_231, %get3A_234, %broadcast_in_dim3A_236 : vector<16xi1>, vector<16xi32>
      %swap3A_238 = arith.constant 64 : index
      %swap3A_239 = tpu.vector_load %arg19[%swap3A_238] {strides = array<i32>} : memref<80xi32, #tpu.memory_space<vmem>>, vector<16xi32>,
      %swap3A_240 = vector.shape_cast %swap3A_239 : vector<16xi32> to vector<16xi32>
      %swap3A_241 = vector.shape_cast %select_n3A_237 : vector<16xi32> to vector<16xi32>
      tpu.vector_store %arg19[%swap3A_238], %swap3A_241 {strides = array<i32>} : memref<80xi32, #tpu.memory_space<vmem>>, vector<16xi32>,
      %dma_start3A_242 = arith.constant 0 : i32
      %dma_start3A_243 = arith.constant 0 : i32
      %dma_start3A_244 = tpu.memref_slice %arg11[%dma_start3A_242, %dma_start3A_243] : memref<10240x128xf32, #tpu.memory_space<vmem_shared>> -> memref<10240x128xf32, #tpu.memory_space<vmem_shared>>
      tpu.enqueue_indirect_dma source(%arg13 : memref<80x128xf32, #tpu.memory_space<vmem>>) target(%dma_start3A_244 : memref<10240x128xf32, #tpu.memory_space<vmem_shared>>) offsets(%arg19 : memref<80xi32, #tpu.memory_space<vmem>>) semaphore(%arg25 : memref<!tpu.dma_semaphore, #tpu.memory_space<semaphore_mem>>) {add = true}
    }
    %scan3A_7 = arith.constant 125 : i32
    %dma_wait3A = arith.constant 0 : i32
    %dma_wait3A_8 = arith.constant 0 : i32
    %dma_wait3A_9 = tpu.memref_slice %arg11[%dma_wait3A, %dma_wait3A_8] : memref<10240x128xf32, #tpu.memory_space<vmem_shared>> -> memref<10240x128xf32, #tpu.memory_space<vmem_shared>>
    tpu.wait_indirect_dma semaphore(%arg24 : memref<!tpu.dma_semaphore, #tpu.memory_space<semaphore_mem>>) src(%arg12 : memref<80x128xf32, #tpu.memory_space<vmem>>) dst(%dma_wait3A_9 : memref<10240x128xf32, #tpu.memory_space<vmem_shared>>)
    %dma_wait3A_10 = arith.constant 0 : i32
    %dma_wait3A_11 = arith.constant 0 : i32
    %dma_wait3A_12 = tpu.memref_slice %arg11[%dma_wait3A_10, %dma_wait3A_11] : memref<10240x128xf32, #tpu.memory_space<vmem_shared>> -> memref<10240x128xf32, #tpu.memory_space<vmem_shared>>
    tpu.wait_indirect_dma semaphore(%arg25 : memref<!tpu.dma_semaphore, #tpu.memory_space<semaphore_mem>>) src(%arg13 : memref<80x128xf32, #tpu.memory_space<vmem>>) dst(%dma_wait3A_12 : memref<10240x128xf32, #tpu.memory_space<vmem_shared>>)
    %barrier3A_13 = arith.constant 0 : index
    tpu.barrier barrier_id(%barrier3A_13)
    "tpu.region"() ({
      %run_scoped3A = tpu.sem_alloc : memref<!tpu.dma_semaphore, #tpu.memory_space<semaphore_mem>>
      %dma_start3A = arith.constant 0 : i32
      %dma_start3A_29 = tpu.memref_slice %arg8[%arg0, %mul3A_0, %dma_start3A] : memref<2x10240x128xf32, #tpu.memory_space<hbm>> -> memref<1x640x128xf32, #tpu.memory_space<hbm>>
      %dma_start3A_30 = tpu.memref_squeeze %dma_start3A_29 : memref<1x640x128xf32, #tpu.memory_space<hbm>> -> memref<640x128xf32, #tpu.memory_space<hbm>>
      %dma_start3A_31 = arith.constant 0 : i32
      %dma_start3A_32 = tpu.memref_slice %arg11[%mul3A_0, %dma_start3A_31] : memref<10240x128xf32, #tpu.memory_space<vmem_shared>> -> memref<640x128xf32, #tpu.memory_space<vmem_shared>>
      tpu.enqueue_dma source(%dma_start3A_32 : memref<640x128xf32, #tpu.memory_space<vmem_shared>>) target(%dma_start3A_30 : memref<640x128xf32, #tpu.memory_space<hbm>>) target_semaphore(%run_scoped3A : memref<!tpu.dma_semaphore, #tpu.memory_space<semaphore_mem>>)
      %dma_wait3A_33 = arith.constant 0 : i32
      %dma_wait3A_34 = tpu.memref_slice %arg8[%arg0, %mul3A_0, %dma_wait3A_33] : memref<2x10240x128xf32, #tpu.memory_space<hbm>> -> memref<1x640x128xf32, #tpu.memory_space<hbm>>
      %dma_wait3A_35 = tpu.memref_squeeze %dma_wait3A_34 : memref<1x640x128xf32, #tpu.memory_space<hbm>> -> memref<640x128xf32, #tpu.memory_space<hbm>>
      %dma_wait3A_36 = arith.constant 0 : i32
      %dma_wait3A_37 = tpu.memref_slice %arg11[%mul3A_0, %dma_wait3A_36] : memref<10240x128xf32, #tpu.memory_space<vmem_shared>> -> memref<640x128xf32, #tpu.memory_space<vmem_shared>>
      tpu.wait_dma2 semaphore(%run_scoped3A : memref<!tpu.dma_semaphore, #tpu.memory_space<semaphore_mem>>) src(%dma_wait3A_37 : memref<640x128xf32, #tpu.memory_space<vmem_shared>>) dst(%dma_wait3A_35 : memref<640x128xf32, #tpu.memory_space<hbm>>)
      tpu.yield
    }) : () -> ()
    %barrier3A_14 = arith.constant 0 : index
    tpu.barrier barrier_id(%barrier3A_14)
    "tpu.region"() ({
      %run_scoped3A = tpu.sem_alloc : memref<!tpu.dma_semaphore, #tpu.memory_space<semaphore_mem>>
      %dma_start3A = arith.constant 0 : i32
      %dma_start3A_29 = tpu.memref_slice %arg11[%mul3A_0, %dma_start3A] : memref<10240x128xf32, #tpu.memory_space<vmem_shared>> -> memref<640x128xf32, #tpu.memory_space<vmem_shared>>
      tpu.enqueue_dma source(%arg7 : memref<640x128xf32, #tpu.memory_space<hbm>>) target(%dma_start3A_29 : memref<640x128xf32, #tpu.memory_space<vmem_shared>>) target_semaphore(%run_scoped3A : memref<!tpu.dma_semaphore, #tpu.memory_space<semaphore_mem>>)
      %dma_wait3A_30 = arith.constant 0 : i32
      %dma_wait3A_31 = tpu.memref_slice %arg11[%mul3A_0, %dma_wait3A_30] : memref<10240x128xf32, #tpu.memory_space<vmem_shared>> -> memref<640x128xf32, #tpu.memory_space<vmem_shared>>
      tpu.wait_dma2 semaphore(%run_scoped3A : memref<!tpu.dma_semaphore, #tpu.memory_space<semaphore_mem>>) src(%arg7 : memref<640x128xf32, #tpu.memory_space<hbm>>) dst(%dma_wait3A_31 : memref<640x128xf32, #tpu.memory_space<vmem_shared>>)
      tpu.yield
    }) : () -> ()
    "tpu.region"() ({
      %run_scoped3A = tpu.sem_alloc : memref<!tpu.dma_semaphore, #tpu.memory_space<semaphore_mem>>
      tpu.enqueue_dma source(%arg6 : memref<80x128xf32, #tpu.memory_space<hbm>>) target(%arg12 : memref<80x128xf32, #tpu.memory_space<vmem>>) target_semaphore(%run_scoped3A : memref<!tpu.dma_semaphore, #tpu.memory_space<semaphore_mem>>)
      tpu.wait_dma2 semaphore(%run_scoped3A : memref<!tpu.dma_semaphore, #tpu.memory_space<semaphore_mem>>) src(%arg6 : memref<80x128xf32, #tpu.memory_space<hbm>>) dst(%arg12 : memref<80x128xf32, #tpu.memory_space<vmem>>)
      tpu.yield
    }) : () -> ()
    %barrier3A_15 = arith.constant 0 : index
    tpu.barrier barrier_id(%barrier3A_15)
    %scan3A_16 = arith.constant 0 : i32
    %scan3A_17 = arith.constant 0 : i32
    %scan3A_18 = arith.constant 125 : i32
    %scan3A_19 = arith.addi %scan3A_17, %scan3A_18 : i32
    %scan3A_20 = arith.constant 1 : i32
    scf.for %scan3A_29 = %scan3A_17 to %scan3A_19 step %scan3A_20  : i32 {
      %mul3A_30 = arith.constant 2 : i32
      %mul3A_31 = arith.muli %scan3A_29, %mul3A_30 : i32
      %add3A = arith.constant 0 : i32
      %add3A_32 = arith.addi %mul3A_31, %add3A : i32
      %mul3A_33 = arith.constant 80 : i32
      %mul3A_34 = arith.muli %add3A_32, %mul3A_33 : i32
      %gt3A = arith.constant 0 : i32
      %gt3A_35 = arith.cmpi sgt, %scan3A_29, %gt3A : i32
      %convert_element_type3A = arith.extui %gt3A_35 : i1 to i32
      %cond3A = arith.constant 0 : i32
      %cond3A_36 = arith.cmpi ne, %convert_element_type3A, %cond3A : i32
      scf.if %cond3A_36 {
        %dma_wait3A_229 = arith.constant 0 : i32
        %dma_wait3A_230 = arith.constant 0 : i32
        %dma_wait3A_231 = tpu.memref_slice %arg11[%dma_wait3A_229, %dma_wait3A_230] : memref<10240x128xf32, #tpu.memory_space<vmem_shared>> -> memref<10240x128xf32, #tpu.memory_space<vmem_shared>>
        tpu.wait_indirect_dma semaphore(%arg24 : memref<!tpu.dma_semaphore, #tpu.memory_space<semaphore_mem>>) src(%arg12 : memref<80x128xf32, #tpu.memory_space<vmem>>) dst(%dma_wait3A_231 : memref<10240x128xf32, #tpu.memory_space<vmem_shared>>)
      } else {
      }
      %add3A_37 = arith.addi %mul3A_2, %mul3A_34 : i32
      %dma_start3A = tpu.memref_slice %arg4[%add3A_37] : memref<320000xi32, #tpu.memory_space<hbm>> -> memref<80xi32, #tpu.memory_space<hbm>>
      %dma_start3A_38 = tpu.memref_slice %arg4[%add3A_37] : memref<320000xi32, #tpu.memory_space<hbm>> -> memref<80xi32, #tpu.memory_space<hbm>>
      tpu.enqueue_dma source(%dma_start3A_38 : memref<80xi32, #tpu.memory_space<hbm>>) target(%arg14 : memref<80xi32, #tpu.memory_space<vmem>>) target_semaphore(%arg20 : memref<!tpu.dma_semaphore, #tpu.memory_space<semaphore_mem>>)
      %add3A_39 = arith.addi %mul3A_2, %mul3A_34 : i32
      %dma_start3A_40 = tpu.memref_slice %arg5[%add3A_39] : memref<320000xi32, #tpu.memory_space<hbm>> -> memref<80xi32, #tpu.memory_space<hbm>>
      %dma_start3A_41 = tpu.memref_slice %arg5[%add3A_39] : memref<320000xi32, #tpu.memory_space<hbm>> -> memref<80xi32, #tpu.memory_space<hbm>>
      tpu.enqueue_dma source(%dma_start3A_41 : memref<80xi32, #tpu.memory_space<hbm>>) target(%arg16 : memref<80xi32, #tpu.memory_space<vmem>>) target_semaphore(%arg20 : memref<!tpu.dma_semaphore, #tpu.memory_space<semaphore_mem>>)
      %add3A_42 = arith.constant 1 : i32
      %add3A_43 = arith.addi %mul3A_31, %add3A_42 : i32
      %mul3A_44 = arith.constant 80 : i32
      %mul3A_45 = arith.muli %add3A_43, %mul3A_44 : i32
      %gt3A_46 = arith.constant 0 : i32
      %gt3A_47 = arith.cmpi sgt, %scan3A_29, %gt3A_46 : i32
      %convert_element_type3A_48 = arith.extui %gt3A_47 : i1 to i32
      %cond3A_49 = arith.constant 0 : i32
      %cond3A_50 = arith.cmpi ne, %convert_element_type3A_48, %cond3A_49 : i32
      scf.if %cond3A_50 {
        %dma_wait3A_229 = arith.constant 0 : i32
        %dma_wait3A_230 = arith.constant 0 : i32
        %dma_wait3A_231 = tpu.memref_slice %arg11[%dma_wait3A_229, %dma_wait3A_230] : memref<10240x128xf32, #tpu.memory_space<vmem_shared>> -> memref<10240x128xf32, #tpu.memory_space<vmem_shared>>
        tpu.wait_indirect_dma semaphore(%arg25 : memref<!tpu.dma_semaphore, #tpu.memory_space<semaphore_mem>>) src(%arg12 : memref<80x128xf32, #tpu.memory_space<vmem>>) dst(%dma_wait3A_231 : memref<10240x128xf32, #tpu.memory_space<vmem_shared>>)
      } else {
      }
      %add3A_51 = arith.addi %mul3A_2, %mul3A_45 : i32
      %dma_start3A_52 = tpu.memref_slice %arg4[%add3A_51] : memref<320000xi32, #tpu.memory_space<hbm>> -> memref<80xi32, #tpu.memory_space<hbm>>
      %dma_start3A_53 = tpu.memref_slice %arg4[%add3A_51] : memref<320000xi32, #tpu.memory_space<hbm>> -> memref<80xi32, #tpu.memory_space<hbm>>
      tpu.enqueue_dma source(%dma_start3A_53 : memref<80xi32, #tpu.memory_space<hbm>>) target(%arg15 : memref<80xi32, #tpu.memory_space<vmem>>) target_semaphore(%arg21 : memref<!tpu.dma_semaphore, #tpu.memory_space<semaphore_mem>>)
      %add3A_54 = arith.addi %mul3A_2, %mul3A_45 : i32
      %dma_start3A_55 = tpu.memref_slice %arg5[%add3A_54] : memref<320000xi32, #tpu.memory_space<hbm>> -> memref<80xi32, #tpu.memory_space<hbm>>
      %dma_start3A_56 = tpu.memref_slice %arg5[%add3A_54] : memref<320000xi32, #tpu.memory_space<hbm>> -> memref<80xi32, #tpu.memory_space<hbm>>
      tpu.enqueue_dma source(%dma_start3A_56 : memref<80xi32, #tpu.memory_space<hbm>>) target(%arg17 : memref<80xi32, #tpu.memory_space<vmem>>) target_semaphore(%arg21 : memref<!tpu.dma_semaphore, #tpu.memory_space<semaphore_mem>>)
      %mul3A_57 = arith.constant 2 : i32
      %mul3A_58 = arith.muli %scan3A_29, %mul3A_57 : i32
      %add3A_59 = arith.constant 0 : i32
      %add3A_60 = arith.addi %mul3A_58, %add3A_59 : i32
      %mul3A_61 = arith.constant 80 : i32
      %mul3A_62 = arith.muli %add3A_60, %mul3A_61 : i32
      %add3A_63 = arith.addi %mul3A_2, %mul3A_62 : i32
      %dma_wait3A_64 = tpu.memref_slice %arg4[%add3A_63] : memref<320000xi32, #tpu.memory_space<hbm>> -> memref<80xi32, #tpu.memory_space<hbm>>
      %dma_wait3A_65 = tpu.memref_slice %arg4[%add3A_63] : memref<320000xi32, #tpu.memory_space<hbm>> -> memref<80xi32, #tpu.memory_space<hbm>>
      tpu.wait_dma2 semaphore(%arg20 : memref<!tpu.dma_semaphore, #tpu.memory_space<semaphore_mem>>) src(%dma_wait3A_65 : memref<80xi32, #tpu.memory_space<hbm>>) dst(%arg14 : memref<80xi32, #tpu.memory_space<vmem>>)
      %add3A_66 = arith.addi %mul3A_2, %mul3A_62 : i32
      %dma_wait3A_67 = tpu.memref_slice %arg5[%add3A_66] : memref<320000xi32, #tpu.memory_space<hbm>> -> memref<80xi32, #tpu.memory_space<hbm>>
      %dma_wait3A_68 = tpu.memref_slice %arg5[%add3A_66] : memref<320000xi32, #tpu.memory_space<hbm>> -> memref<80xi32, #tpu.memory_space<hbm>>
      tpu.wait_dma2 semaphore(%arg20 : memref<!tpu.dma_semaphore, #tpu.memory_space<semaphore_mem>>) src(%dma_wait3A_68 : memref<80xi32, #tpu.memory_space<hbm>>) dst(%arg16 : memref<80xi32, #tpu.memory_space<vmem>>)
      %get3A = arith.constant 0 : index
      %get3A_69 = tpu.vector_load %arg16[%get3A] {strides = array<i32>} : memref<80xi32, #tpu.memory_space<vmem>>, vector<16xi32>,
      %get3A_70 = vector.shape_cast %get3A_69 : vector<16xi32> to vector<16xi32>
      %eq3A = vector.broadcast %arg0 : i32 to vector<16xi32>
      %eq3A_71 = arith.cmpi eq, %get3A_70, %eq3A : vector<16xi32>
      %get3A_72 = arith.constant 0 : index
      %get3A_73 = tpu.vector_load %arg14[%get3A_72] {strides = array<i32>} : memref<80xi32, #tpu.memory_space<vmem>>, vector<16xi32>,
      %get3A_74 = vector.shape_cast %get3A_73 : vector<16xi32> to vector<16xi32>
      %jit3A = arith.constant 10000 : i32
      %broadcast_in_dim3A = vector.broadcast %jit3A : i32 to vector<16xi32>
      %select_n3A = arith.select %eq3A_71, %get3A_74, %broadcast_in_dim3A : vector<16xi1>, vector<16xi32>
      %swap3A = arith.constant 0 : index
      %swap3A_75 = tpu.vector_load %arg18[%swap3A] {strides = array<i32>} : memref<80xi32, #tpu.memory_space<vmem>>, vector<16xi32>,
      %swap3A_76 = vector.shape_cast %swap3A_75 : vector<16xi32> to vector<16xi32>
      %swap3A_77 = vector.shape_cast %select_n3A : vector<16xi32> to vector<16xi32>
      tpu.vector_store %arg18[%swap3A], %swap3A_77 {strides = array<i32>} : memref<80xi32, #tpu.memory_space<vmem>>, vector<16xi32>,
      %get3A_78 = arith.constant 16 : index
      %get3A_79 = tpu.vector_load %arg16[%get3A_78] {strides = array<i32>} : memref<80xi32, #tpu.memory_space<vmem>>, vector<16xi32>,
      %get3A_80 = vector.shape_cast %get3A_79 : vector<16xi32> to vector<16xi32>
      %eq3A_81 = vector.broadcast %arg0 : i32 to vector<16xi32>
      %eq3A_82 = arith.cmpi eq, %get3A_80, %eq3A_81 : vector<16xi32>
      %get3A_83 = arith.constant 16 : index
      %get3A_84 = tpu.vector_load %arg14[%get3A_83] {strides = array<i32>} : memref<80xi32, #tpu.memory_space<vmem>>, vector<16xi32>,
      %get3A_85 = vector.shape_cast %get3A_84 : vector<16xi32> to vector<16xi32>
      %jit3A_86 = arith.constant 10000 : i32
      %broadcast_in_dim3A_87 = vector.broadcast %jit3A_86 : i32 to vector<16xi32>
      %select_n3A_88 = arith.select %eq3A_82, %get3A_85, %broadcast_in_dim3A_87 : vector<16xi1>, vector<16xi32>
      %swap3A_89 = arith.constant 16 : index
      %swap3A_90 = tpu.vector_load %arg18[%swap3A_89] {strides = array<i32>} : memref<80xi32, #tpu.memory_space<vmem>>, vector<16xi32>,
      %swap3A_91 = vector.shape_cast %swap3A_90 : vector<16xi32> to vector<16xi32>
      %swap3A_92 = vector.shape_cast %select_n3A_88 : vector<16xi32> to vector<16xi32>
      tpu.vector_store %arg18[%swap3A_89], %swap3A_92 {strides = array<i32>} : memref<80xi32, #tpu.memory_space<vmem>>, vector<16xi32>,
      %get3A_93 = arith.constant 32 : index
      %get3A_94 = tpu.vector_load %arg16[%get3A_93] {strides = array<i32>} : memref<80xi32, #tpu.memory_space<vmem>>, vector<16xi32>,
      %get3A_95 = vector.shape_cast %get3A_94 : vector<16xi32> to vector<16xi32>
      %eq3A_96 = vector.broadcast %arg0 : i32 to vector<16xi32>
      %eq3A_97 = arith.cmpi eq, %get3A_95, %eq3A_96 : vector<16xi32>
      %get3A_98 = arith.constant 32 : index
      %get3A_99 = tpu.vector_load %arg14[%get3A_98] {strides = array<i32>} : memref<80xi32, #tpu.memory_space<vmem>>, vector<16xi32>,
      %get3A_100 = vector.shape_cast %get3A_99 : vector<16xi32> to vector<16xi32>
      %jit3A_101 = arith.constant 10000 : i32
      %broadcast_in_dim3A_102 = vector.broadcast %jit3A_101 : i32 to vector<16xi32>
      %select_n3A_103 = arith.select %eq3A_97, %get3A_100, %broadcast_in_dim3A_102 : vector<16xi1>, vector<16xi32>
      %swap3A_104 = arith.constant 32 : index
      %swap3A_105 = tpu.vector_load %arg18[%swap3A_104] {strides = array<i32>} : memref<80xi32, #tpu.memory_space<vmem>>, vector<16xi32>,
      %swap3A_106 = vector.shape_cast %swap3A_105 : vector<16xi32> to vector<16xi32>
      %swap3A_107 = vector.shape_cast %select_n3A_103 : vector<16xi32> to vector<16xi32>
      tpu.vector_store %arg18[%swap3A_104], %swap3A_107 {strides = array<i32>} : memref<80xi32, #tpu.memory_space<vmem>>, vector<16xi32>,
      %get3A_108 = arith.constant 48 : index
      %get3A_109 = tpu.vector_load %arg16[%get3A_108] {strides = array<i32>} : memref<80xi32, #tpu.memory_space<vmem>>, vector<16xi32>,
      %get3A_110 = vector.shape_cast %get3A_109 : vector<16xi32> to vector<16xi32>
      %eq3A_111 = vector.broadcast %arg0 : i32 to vector<16xi32>
      %eq3A_112 = arith.cmpi eq, %get3A_110, %eq3A_111 : vector<16xi32>
      %get3A_113 = arith.constant 48 : index
      %get3A_114 = tpu.vector_load %arg14[%get3A_113] {strides = array<i32>} : memref<80xi32, #tpu.memory_space<vmem>>, vector<16xi32>,
      %get3A_115 = vector.shape_cast %get3A_114 : vector<16xi32> to vector<16xi32>
      %jit3A_116 = arith.constant 10000 : i32
      %broadcast_in_dim3A_117 = vector.broadcast %jit3A_116 : i32 to vector<16xi32>
      %select_n3A_118 = arith.select %eq3A_112, %get3A_115, %broadcast_in_dim3A_117 : vector<16xi1>, vector<16xi32>
      %swap3A_119 = arith.constant 48 : index
      %swap3A_120 = tpu.vector_load %arg18[%swap3A_119] {strides = array<i32>} : memref<80xi32, #tpu.memory_space<vmem>>, vector<16xi32>,
      %swap3A_121 = vector.shape_cast %swap3A_120 : vector<16xi32> to vector<16xi32>
      %swap3A_122 = vector.shape_cast %select_n3A_118 : vector<16xi32> to vector<16xi32>
      tpu.vector_store %arg18[%swap3A_119], %swap3A_122 {strides = array<i32>} : memref<80xi32, #tpu.memory_space<vmem>>, vector<16xi32>,
      %get3A_123 = arith.constant 64 : index
      %get3A_124 = tpu.vector_load %arg16[%get3A_123] {strides = array<i32>} : memref<80xi32, #tpu.memory_space<vmem>>, vector<16xi32>,
      %get3A_125 = vector.shape_cast %get3A_124 : vector<16xi32> to vector<16xi32>
      %eq3A_126 = vector.broadcast %arg0 : i32 to vector<16xi32>
      %eq3A_127 = arith.cmpi eq, %get3A_125, %eq3A_126 : vector<16xi32>
      %get3A_128 = arith.constant 64 : index
      %get3A_129 = tpu.vector_load %arg14[%get3A_128] {strides = array<i32>} : memref<80xi32, #tpu.memory_space<vmem>>, vector<16xi32>,
      %get3A_130 = vector.shape_cast %get3A_129 : vector<16xi32> to vector<16xi32>
      %jit3A_131 = arith.constant 10000 : i32
      %broadcast_in_dim3A_132 = vector.broadcast %jit3A_131 : i32 to vector<16xi32>
      %select_n3A_133 = arith.select %eq3A_127, %get3A_130, %broadcast_in_dim3A_132 : vector<16xi1>, vector<16xi32>
      %swap3A_134 = arith.constant 64 : index
      %swap3A_135 = tpu.vector_load %arg18[%swap3A_134] {strides = array<i32>} : memref<80xi32, #tpu.memory_space<vmem>>, vector<16xi32>,
      %swap3A_136 = vector.shape_cast %swap3A_135 : vector<16xi32> to vector<16xi32>
      %swap3A_137 = vector.shape_cast %select_n3A_133 : vector<16xi32> to vector<16xi32>
      tpu.vector_store %arg18[%swap3A_134], %swap3A_137 {strides = array<i32>} : memref<80xi32, #tpu.memory_space<vmem>>, vector<16xi32>,
      %dma_start3A_138 = arith.constant 0 : i32
      %dma_start3A_139 = arith.constant 0 : i32
      %dma_start3A_140 = tpu.memref_slice %arg11[%dma_start3A_138, %dma_start3A_139] : memref<10240x128xf32, #tpu.memory_space<vmem_shared>> -> memref<10240x128xf32, #tpu.memory_space<vmem_shared>>
      tpu.enqueue_indirect_dma source(%arg12 : memref<80x128xf32, #tpu.memory_space<vmem>>) target(%dma_start3A_140 : memref<10240x128xf32, #tpu.memory_space<vmem_shared>>) offsets(%arg18 : memref<80xi32, #tpu.memory_space<vmem>>) semaphore(%arg24 : memref<!tpu.dma_semaphore, #tpu.memory_space<semaphore_mem>>) {add = true}
      %add3A_141 = arith.constant 1 : i32
      %add3A_142 = arith.addi %mul3A_58, %add3A_141 : i32
      %mul3A_143 = arith.constant 80 : i32
      %mul3A_144 = arith.muli %add3A_142, %mul3A_143 : i32
      %add3A_145 = arith.addi %mul3A_2, %mul3A_144 : i32
      %dma_wait3A_146 = tpu.memref_slice %arg4[%add3A_145] : memref<320000xi32, #tpu.memory_space<hbm>> -> memref<80xi32, #tpu.memory_space<hbm>>
      %dma_wait3A_147 = tpu.memref_slice %arg4[%add3A_145] : memref<320000xi32, #tpu.memory_space<hbm>> -> memref<80xi32, #tpu.memory_space<hbm>>
      tpu.wait_dma2 semaphore(%arg21 : memref<!tpu.dma_semaphore, #tpu.memory_space<semaphore_mem>>) src(%dma_wait3A_147 : memref<80xi32, #tpu.memory_space<hbm>>) dst(%arg15 : memref<80xi32, #tpu.memory_space<vmem>>)
      %add3A_148 = arith.addi %mul3A_2, %mul3A_144 : i32
      %dma_wait3A_149 = tpu.memref_slice %arg5[%add3A_148] : memref<320000xi32, #tpu.memory_space<hbm>> -> memref<80xi32, #tpu.memory_space<hbm>>
      %dma_wait3A_150 = tpu.memref_slice %arg5[%add3A_148] : memref<320000xi32, #tpu.memory_space<hbm>> -> memref<80xi32, #tpu.memory_space<hbm>>
      tpu.wait_dma2 semaphore(%arg21 : memref<!tpu.dma_semaphore, #tpu.memory_space<semaphore_mem>>) src(%dma_wait3A_150 : memref<80xi32, #tpu.memory_space<hbm>>) dst(%arg17 : memref<80xi32, #tpu.memory_space<vmem>>)
      %get3A_151 = arith.constant 0 : index
      %get3A_152 = tpu.vector_load %arg17[%get3A_151] {strides = array<i32>} : memref<80xi32, #tpu.memory_space<vmem>>, vector<16xi32>,
      %get3A_153 = vector.shape_cast %get3A_152 : vector<16xi32> to vector<16xi32>
      %eq3A_154 = vector.broadcast %arg0 : i32 to vector<16xi32>
      %eq3A_155 = arith.cmpi eq, %get3A_153, %eq3A_154 : vector<16xi32>
      %get3A_156 = arith.constant 0 : index
      %get3A_157 = tpu.vector_load %arg15[%get3A_156] {strides = array<i32>} : memref<80xi32, #tpu.memory_space<vmem>>, vector<16xi32>,
      %get3A_158 = vector.shape_cast %get3A_157 : vector<16xi32> to vector<16xi32>
      %jit3A_159 = arith.constant 10000 : i32
      %broadcast_in_dim3A_160 = vector.broadcast %jit3A_159 : i32 to vector<16xi32>
      %select_n3A_161 = arith.select %eq3A_155, %get3A_158, %broadcast_in_dim3A_160 : vector<16xi1>, vector<16xi32>
      %swap3A_162 = arith.constant 0 : index
      %swap3A_163 = tpu.vector_load %arg19[%swap3A_162] {strides = array<i32>} : memref<80xi32, #tpu.memory_space<vmem>>, vector<16xi32>,
      %swap3A_164 = vector.shape_cast %swap3A_163 : vector<16xi32> to vector<16xi32>
      %swap3A_165 = vector.shape_cast %select_n3A_161 : vector<16xi32> to vector<16xi32>
      tpu.vector_store %arg19[%swap3A_162], %swap3A_165 {strides = array<i32>} : memref<80xi32, #tpu.memory_space<vmem>>, vector<16xi32>,
      %get3A_166 = arith.constant 16 : index
      %get3A_167 = tpu.vector_load %arg17[%get3A_166] {strides = array<i32>} : memref<80xi32, #tpu.memory_space<vmem>>, vector<16xi32>,
      %get3A_168 = vector.shape_cast %get3A_167 : vector<16xi32> to vector<16xi32>
      %eq3A_169 = vector.broadcast %arg0 : i32 to vector<16xi32>
      %eq3A_170 = arith.cmpi eq, %get3A_168, %eq3A_169 : vector<16xi32>
      %get3A_171 = arith.constant 16 : index
      %get3A_172 = tpu.vector_load %arg15[%get3A_171] {strides = array<i32>} : memref<80xi32, #tpu.memory_space<vmem>>, vector<16xi32>,
      %get3A_173 = vector.shape_cast %get3A_172 : vector<16xi32> to vector<16xi32>
      %jit3A_174 = arith.constant 10000 : i32
      %broadcast_in_dim3A_175 = vector.broadcast %jit3A_174 : i32 to vector<16xi32>
      %select_n3A_176 = arith.select %eq3A_170, %get3A_173, %broadcast_in_dim3A_175 : vector<16xi1>, vector<16xi32>
      %swap3A_177 = arith.constant 16 : index
      %swap3A_178 = tpu.vector_load %arg19[%swap3A_177] {strides = array<i32>} : memref<80xi32, #tpu.memory_space<vmem>>, vector<16xi32>,
      %swap3A_179 = vector.shape_cast %swap3A_178 : vector<16xi32> to vector<16xi32>
      %swap3A_180 = vector.shape_cast %select_n3A_176 : vector<16xi32> to vector<16xi32>
      tpu.vector_store %arg19[%swap3A_177], %swap3A_180 {strides = array<i32>} : memref<80xi32, #tpu.memory_space<vmem>>, vector<16xi32>,
      %get3A_181 = arith.constant 32 : index
      %get3A_182 = tpu.vector_load %arg17[%get3A_181] {strides = array<i32>} : memref<80xi32, #tpu.memory_space<vmem>>, vector<16xi32>,
      %get3A_183 = vector.shape_cast %get3A_182 : vector<16xi32> to vector<16xi32>
      %eq3A_184 = vector.broadcast %arg0 : i32 to vector<16xi32>
      %eq3A_185 = arith.cmpi eq, %get3A_183, %eq3A_184 : vector<16xi32>
      %get3A_186 = arith.constant 32 : index
      %get3A_187 = tpu.vector_load %arg15[%get3A_186] {strides = array<i32>} : memref<80xi32, #tpu.memory_space<vmem>>, vector<16xi32>,
      %get3A_188 = vector.shape_cast %get3A_187 : vector<16xi32> to vector<16xi32>
      %jit3A_189 = arith.constant 10000 : i32
      %broadcast_in_dim3A_190 = vector.broadcast %jit3A_189 : i32 to vector<16xi32>
      %select_n3A_191 = arith.select %eq3A_185, %get3A_188, %broadcast_in_dim3A_190 : vector<16xi1>, vector<16xi32>
      %swap3A_192 = arith.constant 32 : index
      %swap3A_193 = tpu.vector_load %arg19[%swap3A_192] {strides = array<i32>} : memref<80xi32, #tpu.memory_space<vmem>>, vector<16xi32>,
      %swap3A_194 = vector.shape_cast %swap3A_193 : vector<16xi32> to vector<16xi32>
      %swap3A_195 = vector.shape_cast %select_n3A_191 : vector<16xi32> to vector<16xi32>
      tpu.vector_store %arg19[%swap3A_192], %swap3A_195 {strides = array<i32>} : memref<80xi32, #tpu.memory_space<vmem>>, vector<16xi32>,
      %get3A_196 = arith.constant 48 : index
      %get3A_197 = tpu.vector_load %arg17[%get3A_196] {strides = array<i32>} : memref<80xi32, #tpu.memory_space<vmem>>, vector<16xi32>,
      %get3A_198 = vector.shape_cast %get3A_197 : vector<16xi32> to vector<16xi32>
      %eq3A_199 = vector.broadcast %arg0 : i32 to vector<16xi32>
      %eq3A_200 = arith.cmpi eq, %get3A_198, %eq3A_199 : vector<16xi32>
      %get3A_201 = arith.constant 48 : index
      %get3A_202 = tpu.vector_load %arg15[%get3A_201] {strides = array<i32>} : memref<80xi32, #tpu.memory_space<vmem>>, vector<16xi32>,
      %get3A_203 = vector.shape_cast %get3A_202 : vector<16xi32> to vector<16xi32>
      %jit3A_204 = arith.constant 10000 : i32
      %broadcast_in_dim3A_205 = vector.broadcast %jit3A_204 : i32 to vector<16xi32>
      %select_n3A_206 = arith.select %eq3A_200, %get3A_203, %broadcast_in_dim3A_205 : vector<16xi1>, vector<16xi32>
      %swap3A_207 = arith.constant 48 : index
      %swap3A_208 = tpu.vector_load %arg19[%swap3A_207] {strides = array<i32>} : memref<80xi32, #tpu.memory_space<vmem>>, vector<16xi32>,
      %swap3A_209 = vector.shape_cast %swap3A_208 : vector<16xi32> to vector<16xi32>
      %swap3A_210 = vector.shape_cast %select_n3A_206 : vector<16xi32> to vector<16xi32>
      tpu.vector_store %arg19[%swap3A_207], %swap3A_210 {strides = array<i32>} : memref<80xi32, #tpu.memory_space<vmem>>, vector<16xi32>,
      %get3A_211 = arith.constant 64 : index
      %get3A_212 = tpu.vector_load %arg17[%get3A_211] {strides = array<i32>} : memref<80xi32, #tpu.memory_space<vmem>>, vector<16xi32>,
      %get3A_213 = vector.shape_cast %get3A_212 : vector<16xi32> to vector<16xi32>
      %eq3A_214 = vector.broadcast %arg0 : i32 to vector<16xi32>
      %eq3A_215 = arith.cmpi eq, %get3A_213, %eq3A_214 : vector<16xi32>
      %get3A_216 = arith.constant 64 : index
      %get3A_217 = tpu.vector_load %arg15[%get3A_216] {strides = array<i32>} : memref<80xi32, #tpu.memory_space<vmem>>, vector<16xi32>,
      %get3A_218 = vector.shape_cast %get3A_217 : vector<16xi32> to vector<16xi32>
      %jit3A_219 = arith.constant 10000 : i32
      %broadcast_in_dim3A_220 = vector.broadcast %jit3A_219 : i32 to vector<16xi32>
      %select_n3A_221 = arith.select %eq3A_215, %get3A_218, %broadcast_in_dim3A_220 : vector<16xi1>, vector<16xi32>
      %swap3A_222 = arith.constant 64 : index
      %swap3A_223 = tpu.vector_load %arg19[%swap3A_222] {strides = array<i32>} : memref<80xi32, #tpu.memory_space<vmem>>, vector<16xi32>,
      %swap3A_224 = vector.shape_cast %swap3A_223 : vector<16xi32> to vector<16xi32>
      %swap3A_225 = vector.shape_cast %select_n3A_221 : vector<16xi32> to vector<16xi32>
      tpu.vector_store %arg19[%swap3A_222], %swap3A_225 {strides = array<i32>} : memref<80xi32, #tpu.memory_space<vmem>>, vector<16xi32>,
      %dma_start3A_226 = arith.constant 0 : i32
      %dma_start3A_227 = arith.constant 0 : i32
      %dma_start3A_228 = tpu.memref_slice %arg11[%dma_start3A_226, %dma_start3A_227] : memref<10240x128xf32, #tpu.memory_space<vmem_shared>> -> memref<10240x128xf32, #tpu.memory_space<vmem_shared>>
      tpu.enqueue_indirect_dma source(%arg12 : memref<80x128xf32, #tpu.memory_space<vmem>>) target(%dma_start3A_228 : memref<10240x128xf32, #tpu.memory_space<vmem_shared>>) offsets(%arg19 : memref<80xi32, #tpu.memory_space<vmem>>) semaphore(%arg25 : memref<!tpu.dma_semaphore, #tpu.memory_space<semaphore_mem>>) {add = true}
    }
    %scan3A_21 = arith.constant 125 : i32
    %dma_wait3A_22 = arith.constant 0 : i32
    %dma_wait3A_23 = arith.constant 0 : i32
    %dma_wait3A_24 = tpu.memref_slice %arg11[%dma_wait3A_22, %dma_wait3A_23] : memref<10240x128xf32, #tpu.memory_space<vmem_shared>> -> memref<10240x128xf32, #tpu.memory_space<vmem_shared>>
    tpu.wait_indirect_dma semaphore(%arg24 : memref<!tpu.dma_semaphore, #tpu.memory_space<semaphore_mem>>) src(%arg12 : memref<80x128xf32, #tpu.memory_space<vmem>>) dst(%dma_wait3A_24 : memref<10240x128xf32, #tpu.memory_space<vmem_shared>>)
    %dma_wait3A_25 = arith.constant 0 : i32
    %dma_wait3A_26 = arith.constant 0 : i32
    %dma_wait3A_27 = tpu.memref_slice %arg11[%dma_wait3A_25, %dma_wait3A_26] : memref<10240x128xf32, #tpu.memory_space<vmem_shared>> -> memref<10240x128xf32, #tpu.memory_space<vmem_shared>>
    tpu.wait_indirect_dma semaphore(%arg25 : memref<!tpu.dma_semaphore, #tpu.memory_space<semaphore_mem>>) src(%arg12 : memref<80x128xf32, #tpu.memory_space<vmem>>) dst(%dma_wait3A_27 : memref<10240x128xf32, #tpu.memory_space<vmem_shared>>)
    %barrier3A_28 = arith.constant 0 : index
    tpu.barrier barrier_id(%barrier3A_28)
    "tpu.region"() ({
      %run_scoped3A = tpu.sem_alloc : memref<!tpu.dma_semaphore, #tpu.memory_space<semaphore_mem>>
      %dma_start3A = arith.constant 0 : i32
      %dma_start3A_29 = tpu.memref_slice %arg9[%arg0, %mul3A_0, %dma_start3A] : memref<2x10240x128xf32, #tpu.memory_space<hbm>> -> memref<1x640x128xf32, #tpu.memory_space<hbm>>
      %dma_start3A_30 = tpu.memref_squeeze %dma_start3A_29 : memref<1x640x128xf32, #tpu.memory_space<hbm>> -> memref<640x128xf32, #tpu.memory_space<hbm>>
      %dma_start3A_31 = arith.constant 0 : i32
      %dma_start3A_32 = tpu.memref_slice %arg11[%mul3A_0, %dma_start3A_31] : memref<10240x128xf32, #tpu.memory_space<vmem_shared>> -> memref<640x128xf32, #tpu.memory_space<vmem_shared>>
      tpu.enqueue_dma source(%dma_start3A_32 : memref<640x128xf32, #tpu.memory_space<vmem_shared>>) target(%dma_start3A_30 : memref<640x128xf32, #tpu.memory_space<hbm>>) target_semaphore(%run_scoped3A : memref<!tpu.dma_semaphore, #tpu.memory_space<semaphore_mem>>)
      %dma_wait3A_33 = arith.constant 0 : i32
      %dma_wait3A_34 = tpu.memref_slice %arg9[%arg0, %mul3A_0, %dma_wait3A_33] : memref<2x10240x128xf32, #tpu.memory_space<hbm>> -> memref<1x640x128xf32, #tpu.memory_space<hbm>>
      %dma_wait3A_35 = tpu.memref_squeeze %dma_wait3A_34 : memref<1x640x128xf32, #tpu.memory_space<hbm>> -> memref<640x128xf32, #tpu.memory_space<hbm>>
      %dma_wait3A_36 = arith.constant 0 : i32
      %dma_wait3A_37 = tpu.memref_slice %arg11[%mul3A_0, %dma_wait3A_36] : memref<10240x128xf32, #tpu.memory_space<vmem_shared>> -> memref<640x128xf32, #tpu.memory_space<vmem_shared>>
      tpu.wait_dma2 semaphore(%run_scoped3A : memref<!tpu.dma_semaphore, #tpu.memory_space<semaphore_mem>>) src(%dma_wait3A_37 : memref<640x128xf32, #tpu.memory_space<vmem_shared>>) dst(%dma_wait3A_35 : memref<640x128xf32, #tpu.memory_space<hbm>>)
      tpu.yield
    }) : () -> ()
    return
  }
}

module attributes {stable_mosaic.version = 14 : i64} {
  func.func @_enc_body(%arg0: i32, %arg1: memref<1000x768xf32, #tpu.memory_space<vmem>>, %arg2: memref<1000x768xf32, #tpu.memory_space<vmem>>, %arg3: memref<1000x128xf32, #tpu.memory_space<vmem>>, %arg4: memref<768x128xf32, #tpu.memory_space<vmem>>, %arg5: memref<768x128xf32, #tpu.memory_space<vmem>>, %arg6: memref<128x128xf32, #tpu.memory_space<vmem>>, %arg7: memref<1x128xf32, #tpu.memory_space<vmem>>, %arg8: memref<128x128xf32, #tpu.memory_space<vmem>>, %arg9: memref<1x128xf32, #tpu.memory_space<vmem>>, %arg10: memref<1000x128xf32, #tpu.memory_space<vmem>>) attributes {dimension_semantics = [#tpu.dimension_semantics<arbitrary>], iteration_bounds = array<i64: 10>, scalar_prefetch = 0 : i64, scratch_operands = 0 : i64, tpu.core_type = #tpu.core_type<tc>, window_params = [{transform_indices = @transform_0, window_bounds = array<i64: 1000, 768>}, {transform_indices = @transform_1, window_bounds = array<i64: 1000, 768>}, {transform_indices = @transform_2, window_bounds = array<i64: 1000, 128>}, {pipeline_mode = #tpu.pipeline_mode<synchronous>, transform_indices = @transform_3, window_bounds = array<i64: 768, 128>}, {pipeline_mode = #tpu.pipeline_mode<synchronous>, transform_indices = @transform_4, window_bounds = array<i64: 768, 128>}, {pipeline_mode = #tpu.pipeline_mode<synchronous>, transform_indices = @transform_5, window_bounds = array<i64: 128, 128>}, {pipeline_mode = #tpu.pipeline_mode<synchronous>, transform_indices = @transform_6, window_bounds = array<i64: 1, 128>}, {pipeline_mode = #tpu.pipeline_mode<synchronous>, transform_indices = @transform_7, window_bounds = array<i64: 128, 128>}, {pipeline_mode = #tpu.pipeline_mode<synchronous>, transform_indices = @transform_8, window_bounds = array<i64: 1, 128>}, {transform_indices = @transform_9, window_bounds = array<i64: 1000, 128>}]} {
    %get3A = arith.constant 0 : index
    %get3A_0 = arith.constant 0 : index
    %get3A_1 = vector.load %arg1[%get3A, %get3A_0] : memref<1000x768xf32, #tpu.memory_space<vmem>>, vector<1000x768xf32>
    %get3A_2 = arith.constant 0 : index
    %get3A_3 = arith.constant 0 : index
    %get3A_4 = vector.load %arg4[%get3A_2, %get3A_3] : memref<768x128xf32, #tpu.memory_space<vmem>>, vector<768x128xf32>
    %convert_element_type3A = arith.truncf %get3A_1 : vector<1000x768xf32> to vector<1000x768xbf16>
    %convert_element_type3A_5 = arith.extf %convert_element_type3A : vector<1000x768xbf16> to vector<1000x768xf32>
    %convert_element_type3A_6 = arith.truncf %get3A_4 : vector<768x128xf32> to vector<768x128xbf16>
    %convert_element_type3A_7 = arith.extf %convert_element_type3A_6 : vector<768x128xbf16> to vector<768x128xf32>
    %dot_general3A = arith.constant dense<0.000000e+00> : vector<1000x128xf32>
    %dot_general3A_8 = tpu.matmul %convert_element_type3A_5, %convert_element_type3A_7, %dot_general3A {dimension_numbers = #tpu.dot_dimension_numbers<[1], [0], [0], [1], [0, 0, 1, 1], [], []>, precision = #tpu.contract_precision<fp32>, transpose_lhs_hint = false} : vector<1000x768xf32>, vector<768x128xf32>, vector<1000x128xf32> -> vector<1000x128xf32>
    %get3A_9 = arith.constant 0 : index
    %get3A_10 = arith.constant 0 : index
    %get3A_11 = vector.load %arg2[%get3A_9, %get3A_10] : memref<1000x768xf32, #tpu.memory_space<vmem>>, vector<1000x768xf32>
    %get3A_12 = arith.constant 0 : index
    %get3A_13 = arith.constant 0 : index
    %get3A_14 = vector.load %arg5[%get3A_12, %get3A_13] : memref<768x128xf32, #tpu.memory_space<vmem>>, vector<768x128xf32>
    %convert_element_type3A_15 = arith.truncf %get3A_11 : vector<1000x768xf32> to vector<1000x768xbf16>
    %convert_element_type3A_16 = arith.extf %convert_element_type3A_15 : vector<1000x768xbf16> to vector<1000x768xf32>
    %convert_element_type3A_17 = arith.truncf %get3A_14 : vector<768x128xf32> to vector<768x128xbf16>
    %convert_element_type3A_18 = arith.extf %convert_element_type3A_17 : vector<768x128xbf16> to vector<768x128xf32>
    %dot_general3A_19 = arith.constant dense<0.000000e+00> : vector<1000x128xf32>
    %dot_general3A_20 = tpu.matmul %convert_element_type3A_16, %convert_element_type3A_18, %dot_general3A_19 {dimension_numbers = #tpu.dot_dimension_numbers<[1], [0], [0], [1], [0, 0, 1, 1], [], []>, precision = #tpu.contract_precision<fp32>, transpose_lhs_hint = false} : vector<1000x768xf32>, vector<768x128xf32>, vector<1000x128xf32> -> vector<1000x128xf32>
    %add3A = arith.addf %dot_general3A_8, %dot_general3A_20 : vector<1000x128xf32>
    %get3A_21 = arith.constant 0 : index
    %get3A_22 = arith.constant 0 : index
    %get3A_23 = vector.load %arg3[%get3A_21, %get3A_22] : memref<1000x128xf32, #tpu.memory_space<vmem>>, vector<1000x128xf32>
    %get3A_24 = arith.constant 0 : index
    %get3A_25 = arith.constant 0 : index
    %get3A_26 = vector.load %arg6[%get3A_24, %get3A_25] : memref<128x128xf32, #tpu.memory_space<vmem>>, vector<128x128xf32>
    %convert_element_type3A_27 = arith.truncf %get3A_23 : vector<1000x128xf32> to vector<1000x128xbf16>
    %convert_element_type3A_28 = arith.extf %convert_element_type3A_27 : vector<1000x128xbf16> to vector<1000x128xf32>
    %convert_element_type3A_29 = arith.truncf %get3A_26 : vector<128x128xf32> to vector<128x128xbf16>
    %convert_element_type3A_30 = arith.extf %convert_element_type3A_29 : vector<128x128xbf16> to vector<128x128xf32>
    %dot_general3A_31 = arith.constant dense<0.000000e+00> : vector<1000x128xf32>
    %dot_general3A_32 = tpu.matmul %convert_element_type3A_28, %convert_element_type3A_30, %dot_general3A_31 {dimension_numbers = #tpu.dot_dimension_numbers<[1], [0], [0], [1], [0, 0, 1, 1], [], []>, precision = #tpu.contract_precision<fp32>, transpose_lhs_hint = false} : vector<1000x128xf32>, vector<128x128xf32>, vector<1000x128xf32> -> vector<1000x128xf32>
    %add3A_33 = arith.addf %add3A, %dot_general3A_32 : vector<1000x128xf32>
    %get3A_34 = arith.constant 0 : index
    %get3A_35 = arith.constant 0 : index
    %get3A_36 = vector.load %arg7[%get3A_34, %get3A_35] : memref<1x128xf32, #tpu.memory_space<vmem>>, vector<1x128xf32>
    %add3A_37 = vector.broadcast %get3A_36 : vector<1x128xf32> to vector<1000x128xf32>
    %add3A_38 = arith.addf %add3A_33, %add3A_37 : vector<1000x128xf32>
    %jit3A = arith.constant 0.00999999977 : f32
    %ge3A = arith.constant 0.000000e+00 : f32
    %ge3A_39 = vector.broadcast %ge3A : f32 to vector<1000x128xf32>
    %ge3A_40 = arith.cmpf oge, %add3A_38, %ge3A_39 : vector<1000x128xf32>
    %mul3A = vector.broadcast %jit3A : f32 to vector<1000x128xf32>
    %mul3A_41 = arith.mulf %mul3A, %add3A_38 : vector<1000x128xf32>
    %select_n3A = arith.select %ge3A_40, %add3A_38, %mul3A_41 : vector<1000x128xi1>, vector<1000x128xf32>
    %get3A_42 = arith.constant 0 : index
    %get3A_43 = arith.constant 0 : index
    %get3A_44 = vector.load %arg8[%get3A_42, %get3A_43] : memref<128x128xf32, #tpu.memory_space<vmem>>, vector<128x128xf32>
    %convert_element_type3A_45 = arith.truncf %select_n3A : vector<1000x128xf32> to vector<1000x128xbf16>
    %convert_element_type3A_46 = arith.extf %convert_element_type3A_45 : vector<1000x128xbf16> to vector<1000x128xf32>
    %convert_element_type3A_47 = arith.truncf %get3A_44 : vector<128x128xf32> to vector<128x128xbf16>
    %convert_element_type3A_48 = arith.extf %convert_element_type3A_47 : vector<128x128xbf16> to vector<128x128xf32>
    %dot_general3A_49 = arith.constant dense<0.000000e+00> : vector<1000x128xf32>
    %dot_general3A_50 = tpu.matmul %convert_element_type3A_46, %convert_element_type3A_48, %dot_general3A_49 {dimension_numbers = #tpu.dot_dimension_numbers<[1], [0], [0], [1], [0, 0, 1, 1], [], []>, precision = #tpu.contract_precision<fp32>, transpose_lhs_hint = false} : vector<1000x128xf32>, vector<128x128xf32>, vector<1000x128xf32> -> vector<1000x128xf32>
    %get3A_51 = arith.constant 0 : index
    %get3A_52 = arith.constant 0 : index
    %get3A_53 = vector.load %arg9[%get3A_51, %get3A_52] : memref<1x128xf32, #tpu.memory_space<vmem>>, vector<1x128xf32>
    %add3A_54 = vector.broadcast %get3A_53 : vector<1x128xf32> to vector<1000x128xf32>
    %add3A_55 = arith.addf %dot_general3A_50, %add3A_54 : vector<1000x128xf32>
    %jit3A_56 = arith.constant 0.00999999977 : f32
    %ge3A_57 = arith.constant 0.000000e+00 : f32
    %ge3A_58 = vector.broadcast %ge3A_57 : f32 to vector<1000x128xf32>
    %ge3A_59 = arith.cmpf oge, %add3A_55, %ge3A_58 : vector<1000x128xf32>
    %mul3A_60 = vector.broadcast %jit3A_56 : f32 to vector<1000x128xf32>
    %mul3A_61 = arith.mulf %mul3A_60, %add3A_55 : vector<1000x128xf32>
    %select_n3A_62 = arith.select %ge3A_59, %add3A_55, %mul3A_61 : vector<1000x128xi1>, vector<1000x128xf32>
    %convert_element_type3A_63 = arith.truncf %select_n3A_62 : vector<1000x128xf32> to vector<1000x128xbf16>
    %convert_element_type3A_64 = arith.extf %convert_element_type3A_63 : vector<1000x128xbf16> to vector<1000x128xf32>
    %swap3A = arith.constant 0 : index
    %swap3A_65 = arith.constant 0 : index
    %swap3A_66 = vector.load %arg10[%swap3A, %swap3A_65] : memref<1000x128xf32, #tpu.memory_space<vmem>>, vector<1000x128xf32>
    tpu.vector_store %arg10[%swap3A, %swap3A_65], %convert_element_type3A_64 {strides = array<i32>} : memref<1000x128xf32, #tpu.memory_space<vmem>>, vector<1000x128xf32>,
    return
  }
  func.func @transform_0(%arg0: i32) -> (i32, i32) {
    %c0_i32 = arith.constant 0 : i32
    %c0_i32_0 = arith.constant 0 : i32
    return %arg0, %c0_i32 : i32, i32
  }
  func.func @transform_1(%arg0: i32) -> (i32, i32) {
    %c0_i32 = arith.constant 0 : i32
    %c0_i32_0 = arith.constant 0 : i32
    return %arg0, %c0_i32 : i32, i32
  }
  func.func @transform_2(%arg0: i32) -> (i32, i32) {
    %c0_i32 = arith.constant 0 : i32
    %c0_i32_0 = arith.constant 0 : i32
    return %arg0, %c0_i32 : i32, i32
  }
  func.func @transform_3(%arg0: i32) -> (i32, i32) {
    %c0_i32 = arith.constant 0 : i32
    %c0_i32_0 = arith.constant 0 : i32
    %c0_i32_1 = arith.constant 0 : i32
    return %c0_i32, %c0_i32_0 : i32, i32
  }
  func.func @transform_4(%arg0: i32) -> (i32, i32) {
    %c0_i32 = arith.constant 0 : i32
    %c0_i32_0 = arith.constant 0 : i32
    %c0_i32_1 = arith.constant 0 : i32
    return %c0_i32, %c0_i32_0 : i32, i32
  }
  func.func @transform_5(%arg0: i32) -> (i32, i32) {
    %c0_i32 = arith.constant 0 : i32
    %c0_i32_0 = arith.constant 0 : i32
    %c0_i32_1 = arith.constant 0 : i32
    return %c0_i32, %c0_i32_0 : i32, i32
  }
  func.func @transform_6(%arg0: i32) -> (i32, i32) {
    %c0_i32 = arith.constant 0 : i32
    %c0_i32_0 = arith.constant 0 : i32
    %c0_i32_1 = arith.constant 0 : i32
    return %c0_i32, %c0_i32_0 : i32, i32
  }
  func.func @transform_7(%arg0: i32) -> (i32, i32) {
    %c0_i32 = arith.constant 0 : i32
    %c0_i32_0 = arith.constant 0 : i32
    %c0_i32_1 = arith.constant 0 : i32
    return %c0_i32, %c0_i32_0 : i32, i32
  }
  func.func @transform_8(%arg0: i32) -> (i32, i32) {
    %c0_i32 = arith.constant 0 : i32
    %c0_i32_0 = arith.constant 0 : i32
    %c0_i32_1 = arith.constant 0 : i32
    return %c0_i32, %c0_i32_0 : i32, i32
  }
  func.func @transform_9(%arg0: i32) -> (i32, i32) {
    %c0_i32 = arith.constant 0 : i32
    %c0_i32_0 = arith.constant 0 : i32
    return %arg0, %c0_i32 : i32, i32
  }
}

module attributes {stable_mosaic.version = 14 : i64} {
  func.func @_l1_body(%arg0: i32, %arg1: memref<1000x128xf32, #tpu.memory_space<vmem>>, %arg2: memref<1000x128xf32, #tpu.memory_space<vmem>>, %arg3: memref<1000x128xf32, #tpu.memory_space<vmem>>, %arg4: memref<1000x16xf32, #tpu.memory_space<vmem>>, %arg5: memref<1000x16xf32, #tpu.memory_space<vmem>>, %arg6: memref<128x128xf32, #tpu.memory_space<vmem>>, %arg7: memref<1x128xf32, #tpu.memory_space<vmem>>, %arg8: memref<128x128xf32, #tpu.memory_space<vmem>>, %arg9: memref<128x128xf32, #tpu.memory_space<vmem>>, %arg10: memref<1000x128xf32, #tpu.memory_space<vmem>>) attributes {dimension_semantics = [#tpu.dimension_semantics<arbitrary>], iteration_bounds = array<i64: 10>, scalar_prefetch = 0 : i64, scratch_operands = 0 : i64, tpu.core_type = #tpu.core_type<tc>, window_params = [{transform_indices = @transform_0, window_bounds = array<i64: 1000, 128>}, {transform_indices = @transform_1, window_bounds = array<i64: 1000, 128>}, {transform_indices = @transform_2, window_bounds = array<i64: 1000, 128>}, {transform_indices = @transform_3, window_bounds = array<i64: 1000, 16>}, {transform_indices = @transform_4, window_bounds = array<i64: 1000, 16>}, {pipeline_mode = #tpu.pipeline_mode<synchronous>, transform_indices = @transform_5, window_bounds = array<i64: 128, 128>}, {pipeline_mode = #tpu.pipeline_mode<synchronous>, transform_indices = @transform_6, window_bounds = array<i64: 1, 128>}, {pipeline_mode = #tpu.pipeline_mode<synchronous>, transform_indices = @transform_7, window_bounds = array<i64: 128, 128>}, {pipeline_mode = #tpu.pipeline_mode<synchronous>, transform_indices = @transform_8, window_bounds = array<i64: 128, 128>}, {transform_indices = @transform_9, window_bounds = array<i64: 1000, 128>}]} {
    %get3A = arith.constant 0 : index
    %get3A_0 = arith.constant 0 : index
    %get3A_1 = vector.load %arg1[%get3A, %get3A_0] : memref<1000x128xf32, #tpu.memory_space<vmem>>, vector<1000x128xf32>
    %get3A_2 = arith.constant 0 : index
    %get3A_3 = arith.constant 0 : index
    %get3A_4 = vector.load %arg6[%get3A_2, %get3A_3] : memref<128x128xf32, #tpu.memory_space<vmem>>, vector<128x128xf32>
    %convert_element_type3A = arith.truncf %get3A_1 : vector<1000x128xf32> to vector<1000x128xbf16>
    %convert_element_type3A_5 = arith.extf %convert_element_type3A : vector<1000x128xbf16> to vector<1000x128xf32>
    %convert_element_type3A_6 = arith.truncf %get3A_4 : vector<128x128xf32> to vector<128x128xbf16>
    %convert_element_type3A_7 = arith.extf %convert_element_type3A_6 : vector<128x128xbf16> to vector<128x128xf32>
    %dot_general3A = arith.constant dense<0.000000e+00> : vector<1000x128xf32>
    %dot_general3A_8 = tpu.matmul %convert_element_type3A_5, %convert_element_type3A_7, %dot_general3A {dimension_numbers = #tpu.dot_dimension_numbers<[1], [0], [0], [1], [0, 0, 1, 1], [], []>, precision = #tpu.contract_precision<fp32>, transpose_lhs_hint = false} : vector<1000x128xf32>, vector<128x128xf32>, vector<1000x128xf32> -> vector<1000x128xf32>
    %get3A_9 = arith.constant 0 : index
    %get3A_10 = arith.constant 0 : index
    %get3A_11 = vector.load %arg7[%get3A_9, %get3A_10] : memref<1x128xf32, #tpu.memory_space<vmem>>, vector<1x128xf32>
    %add3A = vector.broadcast %get3A_11 : vector<1x128xf32> to vector<1000x128xf32>
    %add3A_12 = arith.addf %dot_general3A_8, %add3A : vector<1000x128xf32>
    %get3A_13 = arith.constant 0 : index
    %get3A_14 = arith.constant 0 : index
    %get3A_15 = vector.load %arg2[%get3A_13, %get3A_14] : memref<1000x128xf32, #tpu.memory_space<vmem>>, vector<1000x128xf32>
    %get3A_16 = arith.constant 0 : index
    %get3A_17 = arith.constant 0 : index
    %get3A_18 = vector.load %arg8[%get3A_16, %get3A_17] : memref<128x128xf32, #tpu.memory_space<vmem>>, vector<128x128xf32>
    %convert_element_type3A_19 = arith.truncf %get3A_18 : vector<128x128xf32> to vector<128x128xbf16>
    %convert_element_type3A_20 = arith.extf %convert_element_type3A_19 : vector<128x128xbf16> to vector<128x128xf32>
    %dot_general3A_21 = arith.constant dense<0.000000e+00> : vector<1000x128xf32>
    %dot_general3A_22 = tpu.matmul %get3A_15, %convert_element_type3A_20, %dot_general3A_21 {dimension_numbers = #tpu.dot_dimension_numbers<[1], [0], [0], [1], [0, 0, 1, 1], [], []>, precision = #tpu.contract_precision<fp32>, transpose_lhs_hint = false} : vector<1000x128xf32>, vector<128x128xf32>, vector<1000x128xf32> -> vector<1000x128xf32>
    %get3A_23 = arith.constant 0 : index
    %get3A_24 = arith.constant 0 : index
    %get3A_25 = vector.load %arg4[%get3A_23, %get3A_24] : memref<1000x16xf32, #tpu.memory_space<vmem>>, vector<1000x16xf32>
    %slice3A = vector.extract_strided_slice %get3A_25 {offsets = [0, 0], sizes = [1000, 1], strides = [1, 1]} : vector<1000x16xf32> to vector<1000x1xf32>
    %jit3A = arith.constant 1.000000e+00 : f32
    %max3A = vector.broadcast %jit3A : f32 to vector<1000x1xf32>
    %max3A_26 = arith.maximumf %max3A, %slice3A : vector<1000x1xf32>
    %div3A = vector.broadcast %max3A_26 : vector<1000x1xf32> to vector<1000x128xf32>
    %div3A_27 = arith.divf %dot_general3A_22, %div3A : vector<1000x128xf32>
    %add3A_28 = arith.addf %add3A_12, %div3A_27 : vector<1000x128xf32>
    %get3A_29 = arith.constant 0 : index
    %get3A_30 = arith.constant 0 : index
    %get3A_31 = vector.load %arg3[%get3A_29, %get3A_30] : memref<1000x128xf32, #tpu.memory_space<vmem>>, vector<1000x128xf32>
    %get3A_32 = arith.constant 0 : index
    %get3A_33 = arith.constant 0 : index
    %get3A_34 = vector.load %arg9[%get3A_32, %get3A_33] : memref<128x128xf32, #tpu.memory_space<vmem>>, vector<128x128xf32>
    %convert_element_type3A_35 = arith.truncf %get3A_34 : vector<128x128xf32> to vector<128x128xbf16>
    %convert_element_type3A_36 = arith.extf %convert_element_type3A_35 : vector<128x128xbf16> to vector<128x128xf32>
    %dot_general3A_37 = arith.constant dense<0.000000e+00> : vector<1000x128xf32>
    %dot_general3A_38 = tpu.matmul %get3A_31, %convert_element_type3A_36, %dot_general3A_37 {dimension_numbers = #tpu.dot_dimension_numbers<[1], [0], [0], [1], [0, 0, 1, 1], [], []>, precision = #tpu.contract_precision<fp32>, transpose_lhs_hint = false} : vector<1000x128xf32>, vector<128x128xf32>, vector<1000x128xf32> -> vector<1000x128xf32>
    %get3A_39 = arith.constant 0 : index
    %get3A_40 = arith.constant 0 : index
    %get3A_41 = vector.load %arg5[%get3A_39, %get3A_40] : memref<1000x16xf32, #tpu.memory_space<vmem>>, vector<1000x16xf32>
    %slice3A_42 = vector.extract_strided_slice %get3A_41 {offsets = [0, 0], sizes = [1000, 1], strides = [1, 1]} : vector<1000x16xf32> to vector<1000x1xf32>
    %jit3A_43 = arith.constant 1.000000e+00 : f32
    %max3A_44 = vector.broadcast %jit3A_43 : f32 to vector<1000x1xf32>
    %max3A_45 = arith.maximumf %max3A_44, %slice3A_42 : vector<1000x1xf32>
    %div3A_46 = vector.broadcast %max3A_45 : vector<1000x1xf32> to vector<1000x128xf32>
    %div3A_47 = arith.divf %dot_general3A_38, %div3A_46 : vector<1000x128xf32>
    %add3A_48 = arith.addf %add3A_28, %div3A_47 : vector<1000x128xf32>
    %convert_element_type3A_49 = arith.truncf %add3A_48 : vector<1000x128xf32> to vector<1000x128xbf16>
    %convert_element_type3A_50 = arith.extf %convert_element_type3A_49 : vector<1000x128xbf16> to vector<1000x128xf32>
    %swap3A = arith.constant 0 : index
    %swap3A_51 = arith.constant 0 : index
    %swap3A_52 = vector.load %arg10[%swap3A, %swap3A_51] : memref<1000x128xf32, #tpu.memory_space<vmem>>, vector<1000x128xf32>
    tpu.vector_store %arg10[%swap3A, %swap3A_51], %convert_element_type3A_50 {strides = array<i32>} : memref<1000x128xf32, #tpu.memory_space<vmem>>, vector<1000x128xf32>,
    return
  }
  func.func @transform_0(%arg0: i32) -> (i32, i32) {
    %c0_i32 = arith.constant 0 : i32
    %c0_i32_0 = arith.constant 0 : i32
    return %arg0, %c0_i32 : i32, i32
  }
  func.func @transform_1(%arg0: i32) -> (i32, i32) {
    %c0_i32 = arith.constant 0 : i32
    %c0_i32_0 = arith.constant 0 : i32
    return %arg0, %c0_i32 : i32, i32
  }
  func.func @transform_2(%arg0: i32) -> (i32, i32) {
    %c0_i32 = arith.constant 0 : i32
    %c0_i32_0 = arith.constant 0 : i32
    return %arg0, %c0_i32 : i32, i32
  }
  func.func @transform_3(%arg0: i32) -> (i32, i32) {
    %c0_i32 = arith.constant 0 : i32
    %c0_i32_0 = arith.constant 0 : i32
    return %arg0, %c0_i32 : i32, i32
  }
  func.func @transform_4(%arg0: i32) -> (i32, i32) {
    %c0_i32 = arith.constant 0 : i32
    %c0_i32_0 = arith.constant 0 : i32
    return %arg0, %c0_i32 : i32, i32
  }
  func.func @transform_5(%arg0: i32) -> (i32, i32) {
    %c0_i32 = arith.constant 0 : i32
    %c0_i32_0 = arith.constant 0 : i32
    %c0_i32_1 = arith.constant 0 : i32
    return %c0_i32, %c0_i32_0 : i32, i32
  }
  func.func @transform_6(%arg0: i32) -> (i32, i32) {
    %c0_i32 = arith.constant 0 : i32
    %c0_i32_0 = arith.constant 0 : i32
    %c0_i32_1 = arith.constant 0 : i32
    return %c0_i32, %c0_i32_0 : i32, i32
  }
  func.func @transform_7(%arg0: i32) -> (i32, i32) {
    %c0_i32 = arith.constant 0 : i32
    %c0_i32_0 = arith.constant 0 : i32
    %c0_i32_1 = arith.constant 0 : i32
    return %c0_i32, %c0_i32_0 : i32, i32
  }
  func.func @transform_8(%arg0: i32) -> (i32, i32) {
    %c0_i32 = arith.constant 0 : i32
    %c0_i32_0 = arith.constant 0 : i32
    %c0_i32_1 = arith.constant 0 : i32
    return %c0_i32, %c0_i32_0 : i32, i32
  }
  func.func @transform_9(%arg0: i32) -> (i32, i32) {
    %c0_i32 = arith.constant 0 : i32
    %c0_i32_0 = arith.constant 0 : i32
    return %arg0, %c0_i32 : i32, i32
  }
}

module attributes {stable_mosaic.version = 14 : i64} {
  func.func @_l2_body(%arg0: i32, %arg1: memref<1000x128xf32, #tpu.memory_space<vmem>>, %arg2: memref<1000x128xf32, #tpu.memory_space<vmem>>, %arg3: memref<1000x128xf32, #tpu.memory_space<vmem>>, %arg4: memref<1000x16xf32, #tpu.memory_space<vmem>>, %arg5: memref<1000x16xf32, #tpu.memory_space<vmem>>, %arg6: memref<128x128xf32, #tpu.memory_space<vmem>>, %arg7: memref<1x128xf32, #tpu.memory_space<vmem>>, %arg8: memref<128x128xf32, #tpu.memory_space<vmem>>, %arg9: memref<128x128xf32, #tpu.memory_space<vmem>>, %arg10: memref<128x128xf32, #tpu.memory_space<vmem>>, %arg11: memref<1x128xf32, #tpu.memory_space<vmem>>, %arg12: memref<128x128xf32, #tpu.memory_space<vmem>>, %arg13: memref<1x128xf32, #tpu.memory_space<vmem>>, %arg14: memref<1000x128xf32, #tpu.memory_space<vmem>>) attributes {dimension_semantics = [#tpu.dimension_semantics<arbitrary>], iteration_bounds = array<i64: 10>, scalar_prefetch = 0 : i64, scratch_operands = 0 : i64, tpu.core_type = #tpu.core_type<tc>, window_params = [{transform_indices = @transform_0, window_bounds = array<i64: 1000, 128>}, {transform_indices = @transform_1, window_bounds = array<i64: 1000, 128>}, {transform_indices = @transform_2, window_bounds = array<i64: 1000, 128>}, {transform_indices = @transform_3, window_bounds = array<i64: 1000, 16>}, {transform_indices = @transform_4, window_bounds = array<i64: 1000, 16>}, {pipeline_mode = #tpu.pipeline_mode<synchronous>, transform_indices = @transform_5, window_bounds = array<i64: 128, 128>}, {pipeline_mode = #tpu.pipeline_mode<synchronous>, transform_indices = @transform_6, window_bounds = array<i64: 1, 128>}, {pipeline_mode = #tpu.pipeline_mode<synchronous>, transform_indices = @transform_7, window_bounds = array<i64: 128, 128>}, {pipeline_mode = #tpu.pipeline_mode<synchronous>, transform_indices = @transform_8, window_bounds = array<i64: 128, 128>}, {pipeline_mode = #tpu.pipeline_mode<synchronous>, transform_indices = @transform_9, window_bounds = array<i64: 128, 128>}, {pipeline_mode = #tpu.pipeline_mode<synchronous>, transform_indices = @transform_10, window_bounds = array<i64: 1, 128>}, {pipeline_mode = #tpu.pipeline_mode<synchronous>, transform_indices = @transform_11, window_bounds = array<i64: 128, 128>}, {pipeline_mode = #tpu.pipeline_mode<synchronous>, transform_indices = @transform_12, window_bounds = array<i64: 1, 128>}, {transform_indices = @transform_13, window_bounds = array<i64: 1000, 128>}]} {
    %get3A = arith.constant 0 : index
    %get3A_0 = arith.constant 0 : index
    %get3A_1 = vector.load %arg1[%get3A, %get3A_0] : memref<1000x128xf32, #tpu.memory_space<vmem>>, vector<1000x128xf32>
    %get3A_2 = arith.constant 0 : index
    %get3A_3 = arith.constant 0 : index
    %get3A_4 = vector.load %arg6[%get3A_2, %get3A_3] : memref<128x128xf32, #tpu.memory_space<vmem>>, vector<128x128xf32>
    %convert_element_type3A = arith.truncf %get3A_1 : vector<1000x128xf32> to vector<1000x128xbf16>
    %convert_element_type3A_5 = arith.extf %convert_element_type3A : vector<1000x128xbf16> to vector<1000x128xf32>
    %convert_element_type3A_6 = arith.truncf %get3A_4 : vector<128x128xf32> to vector<128x128xbf16>
    %convert_element_type3A_7 = arith.extf %convert_element_type3A_6 : vector<128x128xbf16> to vector<128x128xf32>
    %dot_general3A = arith.constant dense<0.000000e+00> : vector<1000x128xf32>
    %dot_general3A_8 = tpu.matmul %convert_element_type3A_5, %convert_element_type3A_7, %dot_general3A {dimension_numbers = #tpu.dot_dimension_numbers<[1], [0], [0], [1], [0, 0, 1, 1], [], []>, precision = #tpu.contract_precision<fp32>, transpose_lhs_hint = false} : vector<1000x128xf32>, vector<128x128xf32>, vector<1000x128xf32> -> vector<1000x128xf32>
    %get3A_9 = arith.constant 0 : index
    %get3A_10 = arith.constant 0 : index
    %get3A_11 = vector.load %arg7[%get3A_9, %get3A_10] : memref<1x128xf32, #tpu.memory_space<vmem>>, vector<1x128xf32>
    %add3A = vector.broadcast %get3A_11 : vector<1x128xf32> to vector<1000x128xf32>
    %add3A_12 = arith.addf %dot_general3A_8, %add3A : vector<1000x128xf32>
    %get3A_13 = arith.constant 0 : index
    %get3A_14 = arith.constant 0 : index
    %get3A_15 = vector.load %arg2[%get3A_13, %get3A_14] : memref<1000x128xf32, #tpu.memory_space<vmem>>, vector<1000x128xf32>
    %get3A_16 = arith.constant 0 : index
    %get3A_17 = arith.constant 0 : index
    %get3A_18 = vector.load %arg8[%get3A_16, %get3A_17] : memref<128x128xf32, #tpu.memory_space<vmem>>, vector<128x128xf32>
    %convert_element_type3A_19 = arith.truncf %get3A_18 : vector<128x128xf32> to vector<128x128xbf16>
    %convert_element_type3A_20 = arith.extf %convert_element_type3A_19 : vector<128x128xbf16> to vector<128x128xf32>
    %dot_general3A_21 = arith.constant dense<0.000000e+00> : vector<1000x128xf32>
    %dot_general3A_22 = tpu.matmul %get3A_15, %convert_element_type3A_20, %dot_general3A_21 {dimension_numbers = #tpu.dot_dimension_numbers<[1], [0], [0], [1], [0, 0, 1, 1], [], []>, precision = #tpu.contract_precision<fp32>, transpose_lhs_hint = false} : vector<1000x128xf32>, vector<128x128xf32>, vector<1000x128xf32> -> vector<1000x128xf32>
    %get3A_23 = arith.constant 0 : index
    %get3A_24 = arith.constant 0 : index
    %get3A_25 = vector.load %arg4[%get3A_23, %get3A_24] : memref<1000x16xf32, #tpu.memory_space<vmem>>, vector<1000x16xf32>
    %slice3A = vector.extract_strided_slice %get3A_25 {offsets = [0, 0], sizes = [1000, 1], strides = [1, 1]} : vector<1000x16xf32> to vector<1000x1xf32>
    %jit3A = arith.constant 1.000000e+00 : f32
    %max3A = vector.broadcast %jit3A : f32 to vector<1000x1xf32>
    %max3A_26 = arith.maximumf %max3A, %slice3A : vector<1000x1xf32>
    %div3A = vector.broadcast %max3A_26 : vector<1000x1xf32> to vector<1000x128xf32>
    %div3A_27 = arith.divf %dot_general3A_22, %div3A : vector<1000x128xf32>
    %add3A_28 = arith.addf %add3A_12, %div3A_27 : vector<1000x128xf32>
    %get3A_29 = arith.constant 0 : index
    %get3A_30 = arith.constant 0 : index
    %get3A_31 = vector.load %arg3[%get3A_29, %get3A_30] : memref<1000x128xf32, #tpu.memory_space<vmem>>, vector<1000x128xf32>
    %get3A_32 = arith.constant 0 : index
    %get3A_33 = arith.constant 0 : index
    %get3A_34 = vector.load %arg9[%get3A_32, %get3A_33] : memref<128x128xf32, #tpu.memory_space<vmem>>, vector<128x128xf32>
    %convert_element_type3A_35 = arith.truncf %get3A_34 : vector<128x128xf32> to vector<128x128xbf16>
    %convert_element_type3A_36 = arith.extf %convert_element_type3A_35 : vector<128x128xbf16> to vector<128x128xf32>
    %dot_general3A_37 = arith.constant dense<0.000000e+00> : vector<1000x128xf32>
    %dot_general3A_38 = tpu.matmul %get3A_31, %convert_element_type3A_36, %dot_general3A_37 {dimension_numbers = #tpu.dot_dimension_numbers<[1], [0], [0], [1], [0, 0, 1, 1], [], []>, precision = #tpu.contract_precision<fp32>, transpose_lhs_hint = false} : vector<1000x128xf32>, vector<128x128xf32>, vector<1000x128xf32> -> vector<1000x128xf32>
    %get3A_39 = arith.constant 0 : index
    %get3A_40 = arith.constant 0 : index
    %get3A_41 = vector.load %arg5[%get3A_39, %get3A_40] : memref<1000x16xf32, #tpu.memory_space<vmem>>, vector<1000x16xf32>
    %slice3A_42 = vector.extract_strided_slice %get3A_41 {offsets = [0, 0], sizes = [1000, 1], strides = [1, 1]} : vector<1000x16xf32> to vector<1000x1xf32>
    %jit3A_43 = arith.constant 1.000000e+00 : f32
    %max3A_44 = vector.broadcast %jit3A_43 : f32 to vector<1000x1xf32>
    %max3A_45 = arith.maximumf %max3A_44, %slice3A_42 : vector<1000x1xf32>
    %div3A_46 = vector.broadcast %max3A_45 : vector<1000x1xf32> to vector<1000x128xf32>
    %div3A_47 = arith.divf %dot_general3A_38, %div3A_46 : vector<1000x128xf32>
    %add3A_48 = arith.addf %add3A_28, %div3A_47 : vector<1000x128xf32>
    %get3A_49 = arith.constant 0 : index
    %get3A_50 = arith.constant 0 : index
    %get3A_51 = vector.load %arg10[%get3A_49, %get3A_50] : memref<128x128xf32, #tpu.memory_space<vmem>>, vector<128x128xf32>
    %convert_element_type3A_52 = arith.truncf %add3A_48 : vector<1000x128xf32> to vector<1000x128xbf16>
    %convert_element_type3A_53 = arith.extf %convert_element_type3A_52 : vector<1000x128xbf16> to vector<1000x128xf32>
    %convert_element_type3A_54 = arith.truncf %get3A_51 : vector<128x128xf32> to vector<128x128xbf16>
    %convert_element_type3A_55 = arith.extf %convert_element_type3A_54 : vector<128x128xbf16> to vector<128x128xf32>
    %dot_general3A_56 = arith.constant dense<0.000000e+00> : vector<1000x128xf32>
    %dot_general3A_57 = tpu.matmul %convert_element_type3A_53, %convert_element_type3A_55, %dot_general3A_56 {dimension_numbers = #tpu.dot_dimension_numbers<[1], [0], [0], [1], [0, 0, 1, 1], [], []>, precision = #tpu.contract_precision<fp32>, transpose_lhs_hint = false} : vector<1000x128xf32>, vector<128x128xf32>, vector<1000x128xf32> -> vector<1000x128xf32>
    %get3A_58 = arith.constant 0 : index
    %get3A_59 = arith.constant 0 : index
    %get3A_60 = vector.load %arg11[%get3A_58, %get3A_59] : memref<1x128xf32, #tpu.memory_space<vmem>>, vector<1x128xf32>
    %add3A_61 = vector.broadcast %get3A_60 : vector<1x128xf32> to vector<1000x128xf32>
    %add3A_62 = arith.addf %dot_general3A_57, %add3A_61 : vector<1000x128xf32>
    %jit3A_63 = arith.constant 0.00999999977 : f32
    %ge3A = arith.constant 0.000000e+00 : f32
    %ge3A_64 = vector.broadcast %ge3A : f32 to vector<1000x128xf32>
    %ge3A_65 = arith.cmpf oge, %add3A_62, %ge3A_64 : vector<1000x128xf32>
    %mul3A = vector.broadcast %jit3A_63 : f32 to vector<1000x128xf32>
    %mul3A_66 = arith.mulf %mul3A, %add3A_62 : vector<1000x128xf32>
    %select_n3A = arith.select %ge3A_65, %add3A_62, %mul3A_66 : vector<1000x128xi1>, vector<1000x128xf32>
    %get3A_67 = arith.constant 0 : index
    %get3A_68 = arith.constant 0 : index
    %get3A_69 = vector.load %arg12[%get3A_67, %get3A_68] : memref<128x128xf32, #tpu.memory_space<vmem>>, vector<128x128xf32>
    %convert_element_type3A_70 = arith.truncf %select_n3A : vector<1000x128xf32> to vector<1000x128xbf16>
    %convert_element_type3A_71 = arith.extf %convert_element_type3A_70 : vector<1000x128xbf16> to vector<1000x128xf32>
    %convert_element_type3A_72 = arith.truncf %get3A_69 : vector<128x128xf32> to vector<128x128xbf16>
    %convert_element_type3A_73 = arith.extf %convert_element_type3A_72 : vector<128x128xbf16> to vector<128x128xf32>
    %dot_general3A_74 = arith.constant dense<0.000000e+00> : vector<1000x128xf32>
    %dot_general3A_75 = tpu.matmul %convert_element_type3A_71, %convert_element_type3A_73, %dot_general3A_74 {dimension_numbers = #tpu.dot_dimension_numbers<[1], [0], [0], [1], [0, 0, 1, 1], [], []>, precision = #tpu.contract_precision<fp32>, transpose_lhs_hint = false} : vector<1000x128xf32>, vector<128x128xf32>, vector<1000x128xf32> -> vector<1000x128xf32>
    %get3A_76 = arith.constant 0 : index
    %get3A_77 = arith.constant 0 : index
    %get3A_78 = vector.load %arg13[%get3A_76, %get3A_77] : memref<1x128xf32, #tpu.memory_space<vmem>>, vector<1x128xf32>
    %add3A_79 = vector.broadcast %get3A_78 : vector<1x128xf32> to vector<1000x128xf32>
    %add3A_80 = arith.addf %dot_general3A_75, %add3A_79 : vector<1000x128xf32>
    %swap3A = arith.constant 0 : index
    %swap3A_81 = arith.constant 0 : index
    %swap3A_82 = vector.load %arg14[%swap3A, %swap3A_81] : memref<1000x128xf32, #tpu.memory_space<vmem>>, vector<1000x128xf32>
    tpu.vector_store %arg14[%swap3A, %swap3A_81], %add3A_80 {strides = array<i32>} : memref<1000x128xf32, #tpu.memory_space<vmem>>, vector<1000x128xf32>,
    return
  }
  func.func @transform_0(%arg0: i32) -> (i32, i32) {
    %c0_i32 = arith.constant 0 : i32
    %c0_i32_0 = arith.constant 0 : i32
    return %arg0, %c0_i32 : i32, i32
  }
  func.func @transform_1(%arg0: i32) -> (i32, i32) {
    %c0_i32 = arith.constant 0 : i32
    %c0_i32_0 = arith.constant 0 : i32
    return %arg0, %c0_i32 : i32, i32
  }
  func.func @transform_2(%arg0: i32) -> (i32, i32) {
    %c0_i32 = arith.constant 0 : i32
    %c0_i32_0 = arith.constant 0 : i32
    return %arg0, %c0_i32 : i32, i32
  }
  func.func @transform_3(%arg0: i32) -> (i32, i32) {
    %c0_i32 = arith.constant 0 : i32
    %c0_i32_0 = arith.constant 0 : i32
    return %arg0, %c0_i32 : i32, i32
  }
  func.func @transform_4(%arg0: i32) -> (i32, i32) {
    %c0_i32 = arith.constant 0 : i32
    %c0_i32_0 = arith.constant 0 : i32
    return %arg0, %c0_i32 : i32, i32
  }
  func.func @transform_5(%arg0: i32) -> (i32, i32) {
    %c0_i32 = arith.constant 0 : i32
    %c0_i32_0 = arith.constant 0 : i32
    %c0_i32_1 = arith.constant 0 : i32
    return %c0_i32, %c0_i32_0 : i32, i32
  }
  func.func @transform_6(%arg0: i32) -> (i32, i32) {
    %c0_i32 = arith.constant 0 : i32
    %c0_i32_0 = arith.constant 0 : i32
    %c0_i32_1 = arith.constant 0 : i32
    return %c0_i32, %c0_i32_0 : i32, i32
  }
  func.func @transform_7(%arg0: i32) -> (i32, i32) {
    %c0_i32 = arith.constant 0 : i32
    %c0_i32_0 = arith.constant 0 : i32
    %c0_i32_1 = arith.constant 0 : i32
    return %c0_i32, %c0_i32_0 : i32, i32
  }
  func.func @transform_8(%arg0: i32) -> (i32, i32) {
    %c0_i32 = arith.constant 0 : i32
    %c0_i32_0 = arith.constant 0 : i32
    %c0_i32_1 = arith.constant 0 : i32
    return %c0_i32, %c0_i32_0 : i32, i32
  }
  func.func @transform_9(%arg0: i32) -> (i32, i32) {
    %c0_i32 = arith.constant 0 : i32
    %c0_i32_0 = arith.constant 0 : i32
    %c0_i32_1 = arith.constant 0 : i32
    return %c0_i32, %c0_i32_0 : i32, i32
  }
  func.func @transform_10(%arg0: i32) -> (i32, i32) {
    %c0_i32 = arith.constant 0 : i32
    %c0_i32_0 = arith.constant 0 : i32
    %c0_i32_1 = arith.constant 0 : i32
    return %c0_i32, %c0_i32_0 : i32, i32
  }
  func.func @transform_11(%arg0: i32) -> (i32, i32) {
    %c0_i32 = arith.constant 0 : i32
    %c0_i32_0 = arith.constant 0 : i32
    %c0_i32_1 = arith.constant 0 : i32
    return %c0_i32, %c0_i32_0 : i32, i32
  }
  func.func @transform_12(%arg0: i32) -> (i32, i32) {
    %c0_i32 = arith.constant 0 : i32
    %c0_i32_0 = arith.constant 0 : i32
    %c0_i32_1 = arith.constant 0 : i32
    return %c0_i32, %c0_i32_0 : i32, i32
  }
  func.func @transform_13(%arg0: i32) -> (i32, i32) {
    %c0_i32 = arith.constant 0 : i32
    %c0_i32_0 = arith.constant 0 : i32
    return %arg0, %c0_i32 : i32, i32
  }
}

</mosaic_0001>

<sc_bundles>
// kernel: kernel.10.cloned.1.call-start
scs
__scs_entry_jumppad:
0x0: {  	(pc) =	sbr.rel $0x88, $3  }
0x1: {  	(tag) =	ssettag $0x0;
	lr =	simm.s32 $0x1  }
0x2: {  	[smem:$0x3F87] =	sst lr;
	_ =	strace $0xD0000000  }
0x3: {  	_ = 	snop  }
0x4: {  	_ = 	snop  }
0x5: {  	_ = 	snop  }
0x6: {  	_ = 	snop  }
0x7: {  	_ = 	snop  }
__scs_overlays_trampoline_lowered:
0x8: {  	[smem:$0x3F96] =	sst s0  }
0x9: {  	[smem:$0x3F97] =	sst s1  }
0xa: {  	[smem:$0x3F98] =	sst s2  }
0xb: {  	[smem:$0x3F99] =	sst s3  }
0xc: {  	[smem:$0x3F9A] =	sst s4  }
0xd: {  	[smem:$0x3F9B] =	sst s5  }
0xe: {  	[smem:$0x3F9C] =	sst s6  }
0xf: {  	[smem:$0x3F9D] =	sst s7  }
0x10: {  	[smem:$0x3F9E] =	sst s8  }
0x11: {  	[smem:$0x3F9F] =	sst s9;
	s0 =	simm.s32 @!p0 $0x0  }
0x12: {  	s1 =	sld [smem:$0x3F85];
	s0 =	simm.s32 @p0 $0x1  }
0x13: {  	[smem:$0x3FA0] =	sst s0;
	s0 =	simm.s32 @!p1 $0x0  }
0x14: {  	s2 =	sld [smem:$0x3F84];
	s0 =	simm.s32 @p1 $0x1  }
0x15: {  	[smem:$0x3FA1] =	sst s0;
	s0 =	simm.s32 @!p2 $0x0  }
0x16: {  	s3 =	sld [smem:$0x3FDB];
	s0 =	simm.s32 @p2 $0x1  }
0x17: {  	s4 =	simm.s32 $0x1BF5;
	[smem:$0x3FA3] =	sst s0  }
0x18: {  	s0 =	sld [smem:$0x3F86];
	_ =	swait.ge [sflag:s4], $0x0  }
0x19: {  	s7 =	sld [smem:$0x3F87]  }
0x1a: {  	s8 =	sadd.s32 $0xFFFFE003, lr  }
0x1b: {  	s9 =	sadd.s32 $0xFFFFFEF7, lr;
	s5 =	simm.s32 $0xFFFFFFFF;
	p2 =	slt.u32 s8, $0xFFFFF086  }
0x1c: {  	p1 =	slt.u32 s9, $0xF7A;
	s5 =	simm.s32 @!p2 $0x0  }
0x1d: {  	s5 =	simm.s32 @p1 $0x1;
	p0 =	seq.s32 s7, s2  }
0x1e: {  	s7 =	smul.u32 @!p0 $0xF7A, s2;
	p2 =	seq.s32 @!p0 s5, $0x0  }
0x1f: {  	s9 =	smul.u32 $0xF7A, s1;
	s8 =	simm.s32 @!p0 $0x1BF5;
	p2 =	por !p2, p0  }
0x20: {  	[sflag:s8] =	ssyncset.s32 @!p0 $0xFFFFF086;
	s6 =	sadd.s32 @!p0 s3, s7;
	s7 =	simm.s32 @!p0 $0x108  }
0x21: {  	s3 =	sadd.s32 s3, s9;
	s6 =	sadd.s32 @!p0 $0x88, s6;
	s7 =	simm.s32 @p2 $0x1082  }
0x22: {  	[simem:s7], [sflag:s8] =	dma.local @!p0 [hbm:s6], $0xF7A  }
0x23: {  	s9 =	sor.u32 $0xD0000000, s2;
	s6 =	simm.s32 $0x108;
	_ =	swait.ge @!p0 [sflag:s8], $0x0  }
0x24: {  	s3 =	sadd.s32 $0x88, s3;
	s6 =	simm.s32 @!p1 $0x1082;
	[sflag:s4] =	ssyncset.s32 $0xFFFFF086  }
0x25: {  	[simem:s6], [sflag:s4] =	dma.local [hbm:s3], $0xF7A  }
0x26: {  	[smem:$0x3F87] =	sst s1;
	(tag) =	ssettag s2;
	_ =	strace s9  }
0x27: {  	s1 =	sld [smem:$0x3F97]  }
0x28: {  	s2 =	sld [smem:$0x3F98]  }
0x29: {  	s4 =	sld [smem:$0x3F9A]  }
0x2a: {  	p0 =	seq.s32 s5, $0x0;
	s5 =	sld [smem:$0x3F9B]  }
0x2b: {  	s6 =	sld [smem:$0x3F9C]  }
0x2c: {  	s7 =	sld [smem:$0x3F9D]  }
0x2d: {  	s3 =	simm.s32 $0x108;
	s8 =	sld [smem:$0x3F9E]  }
0x2e: {  	s3 =	simm.s32 @!p0 $0x1082;
	s9 =	sld [smem:$0x3F9F]  }
0x2f: {  	lr =	sadd.s32 s0, s3;
	s0 =	sld [smem:$0x3F96]  }
0x30: {  	s3 =	sld [smem:$0x3F99]  }
0x31: {  	[smem:$0x3FA2] =	sst s10  }
0x32: {  	s10 =	sld [smem:$0x3FA0];
	_ =	sdelay $0x3  }
0x33: {  	p0 =	seq.s32 s10, $0x1;
	s10 =	sld [smem:$0x3FA2];
	_ =	sdelay $0x3  }
0x34: {  	[smem:$0x3FA2] =	sst s10  }
0x35: {  	s10 =	sld [smem:$0x3FA1];
	_ =	sdelay $0x3  }
0x36: {  	p1 =	seq.s32 s10, $0x1;
	s10 =	sld [smem:$0x3FA2];
	_ =	sdelay $0x3  }
0x37: {  	[smem:$0x3FA2] =	sst s10  }
0x38: {  	s10 =	sld [smem:$0x3FA3]  }
0x39: {  	_ = 	snop;
	(pc) =	sbr.ind lr, $3  }
0x3a: {  	_ = 	snop  }
0x3b: {  	_ = 	snop  }
0x3c: {  	p2 =	seq.s32 s10, $0x1;
	s10 =	sld [smem:$0x3FA2]  }
0x3d: {  	_ =	shalt  }
0x3e: {  	_ =	shalt  }
0x3f: {  	_ =	shalt  }
0x40: {  	_ =	shalt  }
0x41: {  	_ =	shalt  }
0x42: {  	_ =	shalt  }
0x43: {  	_ =	shalt  }
0x44: {  	_ =	shalt  }
0x45: {  	_ =	shalt  }
0x46: {  	_ =	shalt  }
0x47: {  	_ =	shalt  }
0x48: {  	_ =	shalt  }
0x49: {  	_ =	shalt  }
0x4a: {  	_ =	shalt  }
0x4b: {  	_ =	shalt  }
0x4c: {  	_ =	shalt  }
0x4d: {  	_ =	shalt  }
0x4e: {  	_ =	shalt  }
0x4f: {  	_ =	shalt  }
0x50: {  	_ =	shalt  }
0x51: {  	_ =	shalt  }
0x52: {  	_ =	shalt  }
0x53: {  	_ =	shalt  }
0x54: {  	_ =	shalt  }
0x55: {  	_ =	shalt  }
0x56: {  	_ =	shalt  }
0x57: {  	_ =	shalt  }
0x58: {  	_ =	shalt  }
0x59: {  	_ =	shalt  }
0x5a: {  	_ =	shalt  }
0x5b: {  	_ =	shalt  }
0x5c: {  	_ =	shalt  }
0x5d: {  	_ =	shalt  }
0x5e: {  	_ =	shalt  }
0x5f: {  	_ =	shalt  }
0x60: {  	_ =	shalt  }
0x61: {  	_ =	shalt  }
0x62: {  	_ =	shalt  }
0x63: {  	_ =	shalt  }
0x64: {  	_ =	shalt  }
0x65: {  	_ =	shalt  }
0x66: {  	_ =	shalt  }
0x67: {  	_ =	shalt  }
0x68: {  	_ =	shalt  }
0x69: {  	_ =	shalt  }
0x6a: {  	_ =	shalt  }
0x6b: {  	_ =	shalt  }
0x6c: {  	_ =	shalt  }
0x6d: {  	_ =	shalt  }
0x6e: {  	_ =	shalt  }
0x6f: {  	_ =	shalt  }
0x70: {  	_ =	shalt  }
0x71: {  	_ =	shalt  }
0x72: {  	_ =	shalt  }
0x73: {  	_ =	shalt  }
0x74: {  	_ =	shalt  }
0x75: {  	_ =	shalt  }
0x76: {  	_ =	shalt  }
0x77: {  	_ =	shalt  }
0x78: {  	_ =	shalt  }
0x79: {  	_ =	shalt  }
0x7a: {  	_ =	shalt  }
0x7b: {  	_ =	shalt  }
0x7c: {  	_ =	shalt  }
0x7d: {  	_ =	shalt  }
0x7e: {  	_ =	shalt  }
0x7f: {  	_ =	shalt  }
0x80: {  	_ =	shalt  }
0x81: {  	_ =	shalt  }
0x82: {  	_ =	shalt  }
0x83: {  	_ =	shalt  }
0x84: {  	_ =	shalt  }
0x85: {  	_ =	shalt  }
0x86: {  	_ =	shalt  }
0x87: {  	_ =	shalt  }
.Lfunc_end0:
.L_simem_size_0:
called_computation.1_lowered:
.L_overlay_start_0:
0x88: {  	s2 =	sld [smem:$0x3FD9]  }
0x89: {  	s3 =	sld [smem:$0x3FFE];
	_ =	sdelay $0x1  }
0x8a: {  	s1 =	srdreg.scid  }
0x8b: {  	s0 =	sand.u32 $0x1, s1  }
0x8c: {  	s17 =	sshll.u32 s0, $0xA;
	s2 =	sadd.s32 s3, s2  }
0x8d: {  	s2 =	sadd.s32 s2, s17  }
0x8e: {  	[smem:$0x3FAE] =	sst s2  }
0x8f: {  	_ = 	snop  }
0x90: {  	s2 =	sld [smem:$0x3FC3];
	(tm) =	ssettm $0x1  }
0x91: {  	s18 =	sld [smem:$0x3FFB];
	_ =	sdelay $0x3  }
0x92: {  	_ =	strace s18  }
0x93: {  	s3 =	sld [smem:$0x3FFC];
	_ =	sdelay $0x3  }
0x94: {  	_ =	strace s3  }
0x95: {  	s3 =	sld [smem:$0x3FFD];
	_ =	sdelay $0x3  }
0x96: {  	_ =	strace s3  }
0x97: {  	_ =	strace $0x8FFFFFFF  }
0x98: {  	s19 =	sld [smem:$0x3FDB];
	_ =	sdelay $0x1  }
0x99: {  	s4 =	simm.s32 $_scs_section_size  }
0x9a: {  	s5 =	simm.s32 $_size__tile_overlayer_lowered;
	s6 =	simm.s32 $_tile_overlayer_lowered  }
0x9b: {  	s22 =	simm.s32 $0x1BFF;
	s21 =	sshll.u32 s6, $0x1;
	s3 =	sadd.s32 s4, s19  }
0x9c: {  	s7 =	simm.s32 $0x0;
	s20 =	sshll.u32 s5, $0x1;
	s5 =	sadd.s32 s21, s3  }
0x9d: {  	[timem:s7], [sflag:s22] =	dma.local [hbm:s5], s20  }
0x9e: {  	_ =	swait.ge [sflag:s22], s20  }
0x9f: {  	s4 =	ssub.s32 $0x0, s20;
	[sflag:s22] =	ssyncset.done $0x0  }
0xa0: {  	[sflag:s22] =	ssyncadd.s32 s4;
	_ =	sdelay $0x1  }
0xa1: {  	s23 =	simm.s32 $0x1B8B  }
0xa2: {  	_ =	swait.ge [sflag:s23], $0x1  }
0xa3: {  	[sflag:s23] =	ssyncset.done $0x0  }
0xa4: {  	s25 =	simm.s32 $0x1B8E;
	s24 =	sld [smem:$0x3FFE];
	[sflag:s23] =	ssyncadd.s32 $0xFFFFFFFF  }
0xa5: {  	s26 =	simm.s32 $execute0_lowered;
	[smem:$0x3FD2] =	sst s25  }
0xa6: {  	s5 =	sshll.u32 s26, $0x1;
	_ =	strace $0x80000049;
	[dreg:$0x1] =	wrdreg $0xFFFFFFFF  }
0xa7: {  	s28 =	simm.s32 $_size_execute0_lowered;
	s3 =	sadd.s32 s3, s5;
	[dreg:$0x0] =	wrdreg $0x0  }
0xa8: {  	s5 =	sshll.u32 s28, $0x1;
	[dreg:$0x2] =	wrdreg s3  }
0xa9: {  	[dreg:$0x3] =	wrdreg s5  }
0xaa: {  	[dreg:$0x4] =	wrdreg $0xC0  }
0xab: {  	_ =	task [dreg:s7], $0x5FFFF  }
0xac: {  	[dreg:$0x1] =	wrdreg $0xFFFFFFFF  }
0xad: {  	[dreg:$0x0] =	wrdreg $0x60  }
0xae: {  	[dreg:$0x2] =	wrdreg s24  }
0xaf: {  	[dreg:$0x3] =	wrdreg s2  }
0xb0: {  	[dreg:$0x4] =	wrdreg $0x4E800  }
0xb1: {  	[dreg:$0x5] =	wrdreg $0x9  }
0xb2: {  	_ =	task.clear_ibuf [dreg:s7], $0x6FFFF;
	_ =	strace $0x90000049  }
0xb3: {  	s29 =	simm.s32 $0x9;
	_ =	strace $0x8000004B  }
0xb4: {  	_ =	swait.ge [sflag:s29], $0x1  }
0xb5: {  	[sflag:s29] =	ssyncadd.s32 $0xFFFFFFFF  }
0xb6: {  	_ =	strace $0x9000004B  }
0xb7: {  	_ =	sfence  }
0xb8: {  	s30 =	sld [smem:$0x0];
	_ =	sdelay $0x2  }
0xb9: {  	s31 =	sshll.u32 s1, $0xD;
	s1 =	sshrl.u32 s1, $0x2  }
0xba: {  	s3 =	sand.u32 $0x4000, s31;
	s1 =	sadd.s32 s1, s30  }
0xbb: {  	s0 =	sor.u32 s3, s0;
	s1 =	sshll.u32 s1, $0x11  }
0xbc: {  	s0 =	sor.u32 s1, s0  }
0xbd: {  	s0 =	sadd.s32 $0x8F2B, s0  }
0xbe: {  	[sflag:s0] =	ssyncadd.remote.s32 $0x1  }
0xbf: {  	_ =	sfence.sel $0xFFFF  }
0xc0: {  	[dreg:$0x0] =	wrdreg $0xFFFFFFFF;
	(pc) =	sbr.abs _section_cstart, $3  }
0xc1: {  	[dreg:$0x1] =	wrdreg $0xFFFFFFFF  }
0xc2: {  	_ =	task.clear_ibuf [dreg:s7], $0x2FFFF;
	_ =	strace $0x9FFFFFFF  }
0xc3: {  	(tm) =	ssettm $0x7FFFFFFF  }
tec
execute0_lowered:
.L_overlay_start_1:
0x0: {  	(tag) =	ssettag $0x1  }
0x1: {  	s0 =	rddreg [dreg:$0x0]  }
0x2: {  	s1 =	rddreg [dreg:$0x1]  }
0x3: {  	s12 =	stileid.u32;
	s3 =	srdreg.scid  }
0x4: {  	s2 =	rddreg [dreg:$0x2];
	s14 =	simm.s32 $0x1DE80;
	s15 =	simm.s32 $0x1DF80  }
0x5: {  	s16 =	simm.s32 $0x50;
	s17 =	simm.s32 $0x18E80;
	s18 =	simm.s32 $0x1DF00  }
0x6: {  	s19 =	simm.s32 $0x1E000;
	s20 =	simm.s32 $0x1B680;
	s4 =	smul.u32 $0x4E20, s12  }
0x7: {  	s21 =	simm.s32 $0x1;
	s22 =	simm.s32 $0x3;
	s5 =	smul.u32 $0x9C4, s12  }
0x8: {  	s29 =	simm.s32 $0x6;
	s30 =	simm.s32 $0x0;
	s9 =	smul.u32 $0x14000, s12  }
0x9: {  	s6 =	sand.u32 $0x1, s3;
	s3 =	simm.s32 $0x0;
	s23 =	smul.u32 $0x50000, s12  }
0xa: {  	s11 =	sadd.s32 $0x3EA00, s0;
	s31 =	sshll.u32 s12, $0x6;
	s7 =	smul.u32 $0x140000, s6  }
0xb: {  	[smem:$0x7FF] =	sst s3;
	s24 =	ssub.s32 $0x2, s6;
	s12 =	sor.u32 $0x1C07, s31  }
0xc: {  	s8 =	sshrl.u32 s4, $0x3;
	_ =	strace $0x8000004A;
	s4 =	sadd.s32 $0x17800, s0  }
0xd: {  	s10 =	sadd.s32 s5, s0;
	[dreg:$0x4] =	wrdreg s11;
	s25 =	sshrl.u32 s24, $0x1  }
0xe: {  	s8 =	sadd.s32 s8, s0;
	s7 =	sadd.s32 s9, s7;
	s9 =	sshrl.u32 s23, $0x2  }
0xf: {  	s11 =	ssub.s32 s24, s25;
	s10 =	sadd.s32 $0x3C00, s10;
	s23 =	simm.s32 $0x1E080  }
0x10: {  	s24 =	simm.s32 $0x2;
	s25 =	simm.s32 $0x4;
	s7 =	sshrl.u32 s7, $0x3  }
0x11: {  	s26 =	sadd.s32 $0xDA00, s8;
	s13 =	sadd.s32 s9, s2;
	s28 =	smax.u32 s11, $0x1  }
0x12: {  	s9 =	sadd.s32 s5, s1;
	s0 =	sadd.s32 s7, s0;
	[dreg:$0x5] =	wrdreg s26  }
0x13: {  	s11 =	simm.s32 $0x7;
	[dreg:$0x7] =	wrdreg s28;
	s0 =	sadd.s32 $0x41200, s0  }
0x14: {  	v0 =	vmov s6;
	s13 =	sshrl.u32 s13, $0x3;
	s26 =	simm.s32 $0x1E100;
	[dreg:$0x6] =	wrdreg s0  }
.LBB2_1:
0x15: {  	s0 =	rddreg [dreg:$0x5]  }
0x16: {  	[tilespmem:s3], [sflag:$0x7] =	stream.linear.gather [hbm4b:s0+s3], $0x4E20, $0x38;
	[tilespmem:$0x1E180] =	vst v63  }
0x17: {  	_ =	swait.ge [sflag:s11], $0x4E20  }
0x18: {  	[sflag:s11] =	ssyncset.done $0x0  }
0x19: {  	s28 =	rddreg [dreg:$0x4];
	[sflag:s11] =	ssyncadd.s32 $0xFFFFB1E0  }
0x1a: {  	[spmem:s13], [sflag:s12] =	dma.local [hbm:s28], $0x2800  }
0x1b: {  	_ =	swait.ge [sflag:s11], $0x2800  }
0x1c: {  	p0 =	por $0x1, $0x1;
	s5 =	simm.s32 $0x50;
	[sflag:s11] =	ssyncset.done $0x0  }
0x1d: {  	s1 =	simm.s32 $0x0;
	s31 =	simm.s32 $0x50;
	[sflag:s11] =	ssyncadd.s32 $0xFFFFD800  }
0x1e: {  	s0 =	simm.s32 $0x14;
	s6 =	simm.s32 @!p0 $0x5;
	[bflag:$0x0] =	sbarrier.arrive $0xFFFF  }
.LBB2_2:
0x1f: {  	_ =	swait.ge @!p0 [sflag:s6], $0x2800  }
0x20: {  	s5 =	sadd.s32 $0xA0, s5;
	s7 =	smov.u32 s0;
	s0 =	sadd.s32 $0x14, s0  }
0x21: {  	p1 =	sne.s32 s0, $0x9C4;
	[sflag:s6] =	ssyncset.done @!p0 $0x0  }
0x22: {  	[sflag:s6] =	ssyncadd.s32 @!p0 $0xFFFFD800;
	s6 =	sadd.s32 s1, s10  }
0x23: {  	[tilespmem:s14], [sflag:$0x1] =	stream.linear.gather [hbm4b:s6+s3], $0x50, $0x38;
	[tilespmem:$0x1E180] =	vst v63  }
0x24: {  	s8 =	sadd.s32 s1, s9;
	s1 =	smov.u32 s7  }
0x25: {  	[tilespmem:s15], [sflag:$0x1] =	stream.linear.gather [hbm4b:s8+s3], $0x50, $0x38;
	[tilespmem:$0x1E180] =	vst v63  }
0x26: {  	s28 =	simm.s32 @!p0 $0x6;
	s7 =	sadd.s32 $0xFFFFFFB0, s31  }
0x27: {  	[tilespmem:s17], [sflag:$0x3] =	stream.indirect.gather [hbm4b:s4+s16], $0x80, s7, s16, $0xb8;
	[tilespmem:$0x1E180] =	vst v63  }
0x28: {  	_ =	swait.ge @!p0 [sflag:s28], $0x2800  }
0x29: {  	[sflag:s28] =	ssyncset.done @!p0 $0x0  }
0x2a: {  	s6 =	sadd.s32 $0xA, s6;
	[sflag:s28] =	ssyncadd.s32 @!p0 $0xFFFFD800  }
0x2b: {  	[tilespmem:s18], [sflag:$0x2] =	stream.linear.gather [hbm4b:s6+s3], $0x50, $0x38;
	[tilespmem:$0x1E180] =	vst v63  }
0x2c: {  	s6 =	sadd.s32 $0xA, s8  }
0x2d: {  	[tilespmem:s19], [sflag:$0x2] =	stream.linear.gather [hbm4b:s6+s3], $0x50, $0x38;
	[tilespmem:$0x1E180] =	vst v63  }
0x2e: {  	p0 =	seq.s32 s1, $0x0  }
0x2f: {  	[tilespmem:s20], [sflag:$0x4] =	stream.indirect.gather [hbm4b:s4+s16], $0x80, s31, s16, $0xb8;
	[tilespmem:$0x1E180] =	vst v63  }
0x30: {  	s6 =	simm.s32 @!p0 $0x5;
	s31 =	smov.u32 s5;
	_ =	swait.ge [sflag:s21], $0x50  }
0x31: {  	[sflag:s21] =	ssyncset.done $0x0  }
0x32: {  	[sflag:s21] =	ssyncadd.s32 $0xFFFFFFB0  }
0x33: {  	_ =	swait.ge [sflag:s21], $0x50  }
0x34: {  	[sflag:s21] =	ssyncset.done $0x0  }
0x35: {  	[sflag:s21] =	ssyncadd.s32 $0xFFFFFFB0  }
0x36: {  	_ =	swait.ge [sflag:s22], $0x2800  }
0x37: {  	[sflag:s22] =	ssyncset.done $0x0  }
0x38: {  	[sflag:s22] =	ssyncadd.s32 $0xFFFFD800  }
0x39: {  	v1 =	vld [tilespmem:$0x1DE90]  }
0x3a: {  	v2 =	vld [tilespmem:$0x1DEC0]  }
0x3b: {  	v3 =	vld [tilespmem:$0x1DFC0]  }
0x3c: {  	v4 =	vld [tilespmem:$0x1DEB0]  }
0x3d: {  	v5 =	vld [tilespmem:$0x1DEA0]  }
0x3e: {  	v6 =	vld [tilespmem:$0x1DFB0]  }
0x3f: {  	v7 =	vld [tilespmem:$0x1DF90]  }
0x40: {  	v8 =	vld [tilespmem:$0x1DFA0];
	vm0 =	veq.s32 v3, v0  }
0x41: {  	v3 =	vld [tilespmem:$0x1DF80];
	v2 =	vnsel vm0, $0x2710, v2  }
0x42: {  	v9 =	vld [tilespmem:$0x1DE80];
	[tilespmem:$0x1E0C0] =	vst v2  }
0x43: {  	vm0 =	veq.s32 v6, v0  }
0x44: {  	vm1 =	veq.s32 v7, v0;
	v2 =	vnsel vm0, $0x2710, v4  }
0x45: {  	v1 =	vnsel vm1, $0x2710, v1;
	vm0 =	veq.s32 v8, v0;
	[tilespmem:$0x1E0B0] =	vst v2  }
0x46: {  	vm1 =	veq.s32 v3, v0;
	[tilespmem:$0x1E090] =	vst v1;
	v1 =	vnsel vm0, $0x2710, v5  }
0x47: {  	v2 =	vnsel vm1, $0x2710, v9;
	[tilespmem:$0x1E0A0] =	vst v1  }
0x48: {  	[tilespmem:$0x1E080] =	vst v2  }
0x49: {  	[spmem:s2] =	stream.indirect.scatter.add.f32 [tilespmem:s17], [sflag:$0x5], $0x80, s23, s16, $0xb8;
	[tilespmem:$0x1E180] =	vst v63  }
0x4a: {  	_ =	swait.ge [sflag:s24], $0x50  }
0x4b: {  	[sflag:s24] =	ssyncset.done $0x0  }
0x4c: {  	[sflag:s24] =	ssyncadd.s32 $0xFFFFFFB0  }
0x4d: {  	_ =	swait.ge [sflag:s24], $0x50  }
0x4e: {  	[sflag:s24] =	ssyncset.done $0x0  }
0x4f: {  	[sflag:s24] =	ssyncadd.s32 $0xFFFFFFB0  }
0x50: {  	_ =	swait.ge [sflag:s25], $0x2800  }
0x51: {  	[sflag:s25] =	ssyncset.done $0x0  }
0x52: {  	[sflag:s25] =	ssyncadd.s32 $0xFFFFD800  }
0x53: {  	v1 =	vld [tilespmem:$0x1DF00]  }
0x54: {  	v2 =	vld [tilespmem:$0x1E000]  }
0x55: {  	v3 =	vld [tilespmem:$0x1E020]  }
0x56: {  	v4 =	vld [tilespmem:$0x1DF20]  }
0x57: {  	v5 =	vld [tilespmem:$0x1DF10]  }
0x58: {  	v6 =	vld [tilespmem:$0x1E040]  }
0x59: {  	vm0 =	veq.s32 v2, v0;
	v2 =	vld [tilespmem:$0x1DF40]  }
0x5a: {  	v1 =	vnsel vm0, $0x2710, v1;
	v7 =	vld [tilespmem:$0x1E010];
	vm0 =	veq.s32 v3, v0  }
0x5b: {  	[tilespmem:$0x1E100] =	vst v1;
	v1 =	vnsel vm0, $0x2710, v4;
	v3 =	vld [tilespmem:$0x1E030]  }
0x5c: {  	[tilespmem:$0x1E120] =	vst v1;
	v1 =	vld [tilespmem:$0x1DF30]  }
0x5d: {  	vm0 =	veq.s32 v6, v0  }
0x5e: {  	v2 =	vnsel vm0, $0x2710, v2  }
.Ltmp0:
0x5f: {  	vm0 =	veq.s32 v7, v0;
	[tilespmem:$0x1E140] =	vst v2;
	(pc) =	sbr.rel @p1 .LBB2_2-.Ltmp0, $4  }
0x60: {  	v2 =	vnsel vm0, $0x2710, v5;
	vm0 =	veq.s32 v3, v0  }
0x61: {  	[tilespmem:$0x1E110] =	vst v2;
	v1 =	vnsel vm0, $0x2710, v1  }
0x62: {  	[tilespmem:$0x1E130] =	vst v1  }
0x63: {  	[spmem:s2] =	stream.indirect.scatter.add.f32 [tilespmem:s20], [sflag:$0x6], $0x80, s26, s16, $0xb8;
	[tilespmem:$0x1E180] =	vst v63  }
0x64: {  	_ =	swait.ge @!p0 [sflag:s6], $0x2800  }
0x65: {  	[sflag:s6] =	ssyncset.done @!p0 $0x0  }
0x66: {  	s0 =	sadd.s32 s1, s10;
	[sflag:s6] =	ssyncadd.s32 @!p0 $0xFFFFD800  }
0x67: {  	[tilespmem:s14], [sflag:$0x1] =	stream.linear.gather [hbm4b:s0+s3], $0x50, $0x38;
	[tilespmem:$0x1E180] =	vst v63  }
0x68: {  	s6 =	sadd.s32 s1, s9  }
0x69: {  	[tilespmem:s15], [sflag:$0x1] =	stream.linear.gather [hbm4b:s6+s3], $0x50, $0x38;
	[tilespmem:$0x1E180] =	vst v63  }
0x6a: {  	s5 =	sadd.s32 $0xFFFFFFB0, s31  }
0x6b: {  	[tilespmem:s17], [sflag:$0x3] =	stream.indirect.gather [hbm4b:s4+s16], $0x80, s5, s16, $0xb8;
	[tilespmem:$0x1E180] =	vst v63  }
0x6c: {  	s5 =	simm.s32 @!p0 $0x6  }
0x6d: {  	_ =	swait.ge @!p0 [sflag:s5], $0x2800  }
0x6e: {  	[sflag:s5] =	ssyncset.done @!p0 $0x0  }
0x6f: {  	s0 =	sadd.s32 $0xA, s0;
	[sflag:s5] =	ssyncadd.s32 @!p0 $0xFFFFD800  }
0x70: {  	[tilespmem:s18], [sflag:$0x2] =	stream.linear.gather [hbm4b:s0+s3], $0x50, $0x38;
	[tilespmem:$0x1E180] =	vst v63  }
0x71: {  	s7 =	sadd.s32 $0xA, s6  }
0x72: {  	[tilespmem:s19], [sflag:$0x2] =	stream.linear.gather [hbm4b:s7+s3], $0x50, $0x38;
	[tilespmem:$0x1E180] =	vst v63  }
0x73: {  	_ = 	snop  }
0x74: {  	[tilespmem:s20], [sflag:$0x4] =	stream.indirect.gather [hbm4b:s4+s16], $0x80, s31, s16, $0xb8;
	[tilespmem:$0x1E180] =	vst v63  }
0x75: {  	_ =	swait.ge [sflag:s21], $0x50  }
0x76: {  	[sflag:s21] =	ssyncset.done $0x0  }
0x77: {  	[sflag:s21] =	ssyncadd.s32 $0xFFFFFFB0  }
0x78: {  	_ =	swait.ge [sflag:s21], $0x50  }
0x79: {  	[sflag:s21] =	ssyncset.done $0x0  }
0x7a: {  	[sflag:s21] =	ssyncadd.s32 $0xFFFFFFB0  }
0x7b: {  	_ =	swait.ge [sflag:s22], $0x2800  }
0x7c: {  	[sflag:s22] =	ssyncset.done $0x0  }
0x7d: {  	[sflag:s22] =	ssyncadd.s32 $0xFFFFD800  }
0x7e: {  	v1 =	vld [tilespmem:$0x1DE90]  }
0x7f: {  	v2 =	vld [tilespmem:$0x1DEC0]  }
0x80: {  	v3 =	vld [tilespmem:$0x1DFC0]  }
0x81: {  	v4 =	vld [tilespmem:$0x1DEB0]  }
0x82: {  	v5 =	vld [tilespmem:$0x1DEA0]  }
0x83: {  	v7 =	vld [tilespmem:$0x1DF90]  }
0x84: {  	v6 =	vld [tilespmem:$0x1DFB0]  }
0x85: {  	v8 =	vld [tilespmem:$0x1DFA0]  }
0x86: {  	v9 =	vld [tilespmem:$0x1DF80]  }
0x87: {  	vm0 =	veq.s32 v3, v0;
	v3 =	vld [tilespmem:$0x1DE80]  }
0x88: {  	vm1 =	veq.s32 v7, v0;
	v2 =	vnsel vm0, $0x2710, v2  }
0x89: {  	vm8 =	veq.s32 v6, v0;
	v1 =	vnsel vm1, $0x2710, v1;
	[tilespmem:$0x1E0C0] =	vst v2  }
0x8a: {  	vm9 =	veq.s32 v8, v0;
	v2 =	vnsel vm8, $0x2710, v4;
	[tilespmem:$0x1E090] =	vst v1  }
0x8b: {  	vm10 =	veq.s32 v9, v0;
	v1 =	vnsel vm9, $0x2710, v5;
	[tilespmem:$0x1E0B0] =	vst v2  }
0x8c: {  	[tilespmem:$0x1E0A0] =	vst v1;
	v2 =	vnsel vm10, $0x2710, v3  }
0x8d: {  	[tilespmem:$0x1E080] =	vst v2  }
0x8e: {  	[spmem:s2] =	stream.indirect.scatter.add.f32 [tilespmem:s17], [sflag:$0x5], $0x80, s23, s16, $0xb8;
	[tilespmem:$0x1E180] =	vst v63  }
0x8f: {  	_ =	swait.ge [sflag:s24], $0x50  }
0x90: {  	[sflag:s24] =	ssyncset.done $0x0  }
0x91: {  	[sflag:s24] =	ssyncadd.s32 $0xFFFFFFB0  }
0x92: {  	_ =	swait.ge [sflag:s24], $0x50  }
0x93: {  	[sflag:s24] =	ssyncset.done $0x0  }
0x94: {  	[sflag:s24] =	ssyncadd.s32 $0xFFFFFFB0  }
0x95: {  	_ =	swait.ge [sflag:s25], $0x2800  }
0x96: {  	[sflag:s25] =	ssyncset.done $0x0  }
0x97: {  	[sflag:s25] =	ssyncadd.s32 $0xFFFFD800  }
0x98: {  	v1 =	vld [tilespmem:$0x1DF00]  }
0x99: {  	v2 =	vld [tilespmem:$0x1E000]  }
0x9a: {  	v3 =	vld [tilespmem:$0x1E020]  }
0x9b: {  	v58 =	vld [tilespmem:$0x1DF20]  }
0x9c: {  	v59 =	vld [tilespmem:$0x1DF10]  }
0x9d: {  	v60 =	vld [tilespmem:$0x1E040]  }
0x9e: {  	v61 =	vld [tilespmem:$0x1DF40]  }
0x9f: {  	v62 =	vld [tilespmem:$0x1E010]  }
0xa0: {  	v63 =	vld [tilespmem:$0x1E030]  }
0xa1: {  	vm11 =	veq.s32 v2, v0;
	v2 =	vld [tilespmem:$0x1DF30]  }
0xa2: {  	vm12 =	veq.s32 v3, v0;
	v1 =	vnsel vm11, $0x2710, v1  }
0xa3: {  	vm13 =	veq.s32 v60, v0;
	[tilespmem:$0x1E100] =	vst v1;
	v1 =	vnsel vm12, $0x2710, v58  }
0xa4: {  	vm14 =	veq.s32 v62, v0;
	[tilespmem:$0x1E120] =	vst v1;
	v1 =	vnsel vm13, $0x2710, v61  }
0xa5: {  	vm15 =	veq.s32 v63, v0;
	[tilespmem:$0x1E140] =	vst v1;
	v1 =	vnsel vm14, $0x2710, v59  }
0xa6: {  	[tilespmem:$0x1E110] =	vst v1;
	v1 =	vnsel vm15, $0x2710, v2  }
0xa7: {  	s8 =	simm.s32 $0x5;
	[tilespmem:$0x1E130] =	vst v1  }
0xa8: {  	[spmem:s2] =	stream.indirect.scatter.add.f32 [tilespmem:s20], [sflag:$0x6], $0x80, s26, s16, $0xb8;
	[tilespmem:$0x1E180] =	vst v63  }
0xa9: {  	_ =	swait.ge [sflag:s8], $0x2800  }
0xaa: {  	[sflag:s8] =	ssyncset.done $0x0  }
0xab: {  	[sflag:s8] =	ssyncadd.s32 $0xFFFFD800  }
0xac: {  	_ =	swait.ge [sflag:s29], $0x2800  }
0xad: {  	[sflag:s29] =	ssyncset.done $0x0  }
0xae: {  	[sflag:s29] =	ssyncadd.s32 $0xFFFFD800  }
0xaf: {  	[bflag:$0x0] =	sbarrier.arrive $0xFFFF  }
0xb0: {  	s28 =	rddreg [dreg:$0x6]  }
0xb1: {  	[hbm:s28], [sflag:s12] =	dma.local [spmem:s13], $0x2800  }
0xb2: {  	_ =	swait.ge [sflag:s11], $0x2800  }
0xb3: {  	s30 =	sadd.s32 $0x1, s30;
	s31 =	rddreg [dreg:$0x7]  }
0xb4: {  	p0 =	sne.s32 s30, s31  }
.Ltmp1:
0xb5: {  	_ = 	snop;
	(pc) =	sbr.rel @p0 .LBB2_1-.Ltmp1, $3  }
0xb6: {  	_ =	sdelay $0x1  }
0xb7: {  	[sflag:s11] =	ssyncset.done $0x0  }
0xb8: {  	[sflag:s11] =	ssyncadd.s32 $0xFFFFD800  }
0xb9: {  	_ =	sfence.sel $0x180000  }
0xba: {  	[bflag:$0x0] =	sbarrier.arrive $0xFFFF  }
0xbb: {  	_ =	strace $0x9000004A  }
0xbc: {  	s0 =	stileid.u32;
	[bflag:$0x2] =	sbarrier.arrive $0xFFFF  }
0xbd: {  	p0 =	sne.s32 s0, $0x0;
	s0 =	rddreg [dreg:$0x3]  }
0xbe: {  	s0 =	sadd.s32 @!p0 $0x100000, s0  }
0xbf: {  	[sflag:s0] =	ssyncadd.tile.s32 @!p0 $0x1;
	_ =	shalt  }
.Lfunc_end2:
_tile_overlayer_lowered:
.L_overlay_start_2:
0xc0: {  	(tag) =	ssettag $0x2  }
0xc1: {  	s0 =	rddreg [dreg:$0x0];
	s2 =	stileid.u32  }
0xc2: {  	s1 =	rddreg [dreg:$0x1];
	p0 =	sne.s32 s2, $0x0  }
0xc3: {  	s3 =	rddreg [dreg:$0x2];
	[bflag:$0x3] =	sbarrier.arrive $0xFFFF;
	s2 =	simm.s32 @!p0 $0x1C07  }
0xc4: {  	[timem:s3], [sflag:s2] =	dma.local @!p0 [hbm:s0], s1  }
0xc5: {  	s0 =	simm.s32 @!p0 $0x7  }
0xc6: {  	_ =	swait.ge @!p0 [sflag:s0], s1  }
0xc7: {  	s1 =	ssub.s32 @!p0 $0x0, s1;
	[sflag:s0] =	ssyncset.done @!p0 $0x0  }
0xc8: {  	[sflag:s0] =	ssyncadd.s32 @!p0 s1  }
0xc9: {  	[bflag:$0x3] =	sbarrier.arrive $0xFFFF  }
0xca: {  	_ =	shalt  }

// kernel: kernel.7.cloned.1.call-start
scs
__scs_entry_jumppad:
0x0: {  	(pc) =	sbr.rel $0x88, $3  }
0x1: {  	(tag) =	ssettag $0x0;
	lr =	simm.s32 $0x1  }
0x2: {  	[smem:$0x3F87] =	sst lr;
	_ =	strace $0xD0000000  }
0x3: {  	_ = 	snop  }
0x4: {  	_ = 	snop  }
0x5: {  	_ = 	snop  }
0x6: {  	_ = 	snop  }
0x7: {  	_ = 	snop  }
__scs_overlays_trampoline_lowered:
0x8: {  	[smem:$0x3F96] =	sst s0  }
0x9: {  	[smem:$0x3F97] =	sst s1  }
0xa: {  	[smem:$0x3F98] =	sst s2  }
0xb: {  	[smem:$0x3F99] =	sst s3  }
0xc: {  	[smem:$0x3F9A] =	sst s4  }
0xd: {  	[smem:$0x3F9B] =	sst s5  }
0xe: {  	[smem:$0x3F9C] =	sst s6  }
0xf: {  	[smem:$0x3F9D] =	sst s7  }
0x10: {  	[smem:$0x3F9E] =	sst s8  }
0x11: {  	[smem:$0x3F9F] =	sst s9;
	s0 =	simm.s32 @!p0 $0x0  }
0x12: {  	s1 =	sld [smem:$0x3F85];
	s0 =	simm.s32 @p0 $0x1  }
0x13: {  	[smem:$0x3FA0] =	sst s0;
	s0 =	simm.s32 @!p1 $0x0  }
0x14: {  	s2 =	sld [smem:$0x3F84];
	s0 =	simm.s32 @p1 $0x1  }
0x15: {  	[smem:$0x3FA1] =	sst s0;
	s0 =	simm.s32 @!p2 $0x0  }
0x16: {  	s3 =	sld [smem:$0x3FDB];
	s0 =	simm.s32 @p2 $0x1  }
0x17: {  	s4 =	simm.s32 $0x1BF5;
	[smem:$0x3FA3] =	sst s0  }
0x18: {  	s0 =	sld [smem:$0x3F86];
	_ =	swait.ge [sflag:s4], $0x0  }
0x19: {  	s7 =	sld [smem:$0x3F87]  }
0x1a: {  	s8 =	sadd.s32 $0xFFFFE003, lr  }
0x1b: {  	s9 =	sadd.s32 $0xFFFFFEF7, lr;
	s5 =	simm.s32 $0xFFFFFFFF;
	p2 =	slt.u32 s8, $0xFFFFF086  }
0x1c: {  	p1 =	slt.u32 s9, $0xF7A;
	s5 =	simm.s32 @!p2 $0x0  }
0x1d: {  	s5 =	simm.s32 @p1 $0x1;
	p0 =	seq.s32 s7, s2  }
0x1e: {  	s7 =	smul.u32 @!p0 $0xF7A, s2;
	p2 =	seq.s32 @!p0 s5, $0x0  }
0x1f: {  	s9 =	smul.u32 $0xF7A, s1;
	s8 =	simm.s32 @!p0 $0x1BF5;
	p2 =	por !p2, p0  }
0x20: {  	[sflag:s8] =	ssyncset.s32 @!p0 $0xFFFFF086;
	s6 =	sadd.s32 @!p0 s3, s7;
	s7 =	simm.s32 @!p0 $0x108  }
0x21: {  	s3 =	sadd.s32 s3, s9;
	s6 =	sadd.s32 @!p0 $0x88, s6;
	s7 =	simm.s32 @p2 $0x1082  }
0x22: {  	[simem:s7], [sflag:s8] =	dma.local @!p0 [hbm:s6], $0xF7A  }
0x23: {  	s9 =	sor.u32 $0xD0000000, s2;
	s6 =	simm.s32 $0x108;
	_ =	swait.ge @!p0 [sflag:s8], $0x0  }
0x24: {  	s3 =	sadd.s32 $0x88, s3;
	s6 =	simm.s32 @!p1 $0x1082;
	[sflag:s4] =	ssyncset.s32 $0xFFFFF086  }
0x25: {  	[simem:s6], [sflag:s4] =	dma.local [hbm:s3], $0xF7A  }
0x26: {  	[smem:$0x3F87] =	sst s1;
	(tag) =	ssettag s2;
	_ =	strace s9  }
0x27: {  	s1 =	sld [smem:$0x3F97]  }
0x28: {  	s2 =	sld [smem:$0x3F98]  }
0x29: {  	s4 =	sld [smem:$0x3F9A]  }
0x2a: {  	p0 =	seq.s32 s5, $0x0;
	s5 =	sld [smem:$0x3F9B]  }
0x2b: {  	s6 =	sld [smem:$0x3F9C]  }
0x2c: {  	s7 =	sld [smem:$0x3F9D]  }
0x2d: {  	s3 =	simm.s32 $0x108;
	s8 =	sld [smem:$0x3F9E]  }
0x2e: {  	s3 =	simm.s32 @!p0 $0x1082;
	s9 =	sld [smem:$0x3F9F]  }
0x2f: {  	lr =	sadd.s32 s0, s3;
	s0 =	sld [smem:$0x3F96]  }
0x30: {  	s3 =	sld [smem:$0x3F99]  }
0x31: {  	[smem:$0x3FA2] =	sst s10  }
0x32: {  	s10 =	sld [smem:$0x3FA0];
	_ =	sdelay $0x3  }
0x33: {  	p0 =	seq.s32 s10, $0x1;
	s10 =	sld [smem:$0x3FA2];
	_ =	sdelay $0x3  }
0x34: {  	[smem:$0x3FA2] =	sst s10  }
0x35: {  	s10 =	sld [smem:$0x3FA1];
	_ =	sdelay $0x3  }
0x36: {  	p1 =	seq.s32 s10, $0x1;
	s10 =	sld [smem:$0x3FA2];
	_ =	sdelay $0x3  }
0x37: {  	[smem:$0x3FA2] =	sst s10  }
0x38: {  	s10 =	sld [smem:$0x3FA3]  }
0x39: {  	_ = 	snop;
	(pc) =	sbr.ind lr, $3  }
0x3a: {  	_ = 	snop  }
0x3b: {  	_ = 	snop  }
0x3c: {  	p2 =	seq.s32 s10, $0x1;
	s10 =	sld [smem:$0x3FA2]  }
0x3d: {  	_ =	shalt  }
0x3e: {  	_ =	shalt  }
0x3f: {  	_ =	shalt  }
0x40: {  	_ =	shalt  }
0x41: {  	_ =	shalt  }
0x42: {  	_ =	shalt  }
0x43: {  	_ =	shalt  }
0x44: {  	_ =	shalt  }
0x45: {  	_ =	shalt  }
0x46: {  	_ =	shalt  }
0x47: {  	_ =	shalt  }
0x48: {  	_ =	shalt  }
0x49: {  	_ =	shalt  }
0x4a: {  	_ =	shalt  }
0x4b: {  	_ =	shalt  }
0x4c: {  	_ =	shalt  }
0x4d: {  	_ =	shalt  }
0x4e: {  	_ =	shalt  }
0x4f: {  	_ =	shalt  }
0x50: {  	_ =	shalt  }
0x51: {  	_ =	shalt  }
0x52: {  	_ =	shalt  }
0x53: {  	_ =	shalt  }
0x54: {  	_ =	shalt  }
0x55: {  	_ =	shalt  }
0x56: {  	_ =	shalt  }
0x57: {  	_ =	shalt  }
0x58: {  	_ =	shalt  }
0x59: {  	_ =	shalt  }
0x5a: {  	_ =	shalt  }
0x5b: {  	_ =	shalt  }
0x5c: {  	_ =	shalt  }
0x5d: {  	_ =	shalt  }
0x5e: {  	_ =	shalt  }
0x5f: {  	_ =	shalt  }
0x60: {  	_ =	shalt  }
0x61: {  	_ =	shalt  }
0x62: {  	_ =	shalt  }
0x63: {  	_ =	shalt  }
0x64: {  	_ =	shalt  }
0x65: {  	_ =	shalt  }
0x66: {  	_ =	shalt  }
0x67: {  	_ =	shalt  }
0x68: {  	_ =	shalt  }
0x69: {  	_ =	shalt  }
0x6a: {  	_ =	shalt  }
0x6b: {  	_ =	shalt  }
0x6c: {  	_ =	shalt  }
0x6d: {  	_ =	shalt  }
0x6e: {  	_ =	shalt  }
0x6f: {  	_ =	shalt  }
0x70: {  	_ =	shalt  }
0x71: {  	_ =	shalt  }
0x72: {  	_ =	shalt  }
0x73: {  	_ =	shalt  }
0x74: {  	_ =	shalt  }
0x75: {  	_ =	shalt  }
0x76: {  	_ =	shalt  }
0x77: {  	_ =	shalt  }
0x78: {  	_ =	shalt  }
0x79: {  	_ =	shalt  }
0x7a: {  	_ =	shalt  }
0x7b: {  	_ =	shalt  }
0x7c: {  	_ =	shalt  }
0x7d: {  	_ =	shalt  }
0x7e: {  	_ =	shalt  }
0x7f: {  	_ =	shalt  }
0x80: {  	_ =	shalt  }
0x81: {  	_ =	shalt  }
0x82: {  	_ =	shalt  }
0x83: {  	_ =	shalt  }
0x84: {  	_ =	shalt  }
0x85: {  	_ =	shalt  }
0x86: {  	_ =	shalt  }
0x87: {  	_ =	shalt  }
.Lfunc_end0:
.L_simem_size_0:
called_computation_lowered:
.L_overlay_start_0:
0x88: {  	s2 =	sld [smem:$0x3FD9]  }
0x89: {  	s3 =	sld [smem:$0x3FFE];
	_ =	sdelay $0x1  }
0x8a: {  	s1 =	srdreg.scid  }
0x8b: {  	s0 =	sand.u32 $0x1, s1  }
0x8c: {  	s17 =	sshll.u32 s0, $0xA;
	s2 =	sadd.s32 s3, s2  }
0x8d: {  	s2 =	sadd.s32 s2, s17  }
0x8e: {  	[smem:$0x3FAE] =	sst s2  }
0x8f: {  	_ = 	snop  }
0x90: {  	s2 =	sld [smem:$0x3FC3]  }
0x91: {  	s18 =	sld [smem:$0x3FD0];
	(tm) =	ssettm $0x1  }
0x92: {  	s4 =	sld [smem:$0x3FFB];
	_ =	sdelay $0x3  }
0x93: {  	_ =	strace s4  }
0x94: {  	s4 =	sld [smem:$0x3FFC];
	_ =	sdelay $0x3  }
0x95: {  	_ =	strace s4  }
0x96: {  	s4 =	sld [smem:$0x3FFD];
	_ =	sdelay $0x3  }
0x97: {  	_ =	strace s4  }
0x98: {  	_ =	strace $0x8FFFFFFF  }
0x99: {  	s19 =	sld [smem:$0x3FDB];
	_ =	sdelay $0x1  }
0x9a: {  	s5 =	simm.s32 $_scs_section_size  }
0x9b: {  	s6 =	simm.s32 $_size__tile_overlayer_lowered;
	s7 =	simm.s32 $_tile_overlayer_lowered  }
0x9c: {  	s22 =	simm.s32 $0x1BFF;
	s21 =	sshll.u32 s7, $0x1;
	s4 =	sadd.s32 s5, s19  }
0x9d: {  	s8 =	simm.s32 $0x0;
	s20 =	sshll.u32 s6, $0x1;
	s6 =	sadd.s32 s21, s4  }
0x9e: {  	[timem:s8], [sflag:s22] =	dma.local [hbm:s6], s20  }
0x9f: {  	_ =	swait.ge [sflag:s22], s20  }
0xa0: {  	s5 =	ssub.s32 $0x0, s20;
	[sflag:s22] =	ssyncset.done $0x0  }
0xa1: {  	[sflag:s22] =	ssyncadd.s32 s5;
	_ =	sdelay $0x1  }
0xa2: {  	s23 =	simm.s32 $0x1B8B  }
0xa3: {  	_ =	swait.ge [sflag:s23], $0x1  }
0xa4: {  	[sflag:s23] =	ssyncset.done $0x0  }
0xa5: {  	s25 =	simm.s32 $0x1B8E;
	s24 =	sld [smem:$0x3FFE];
	[sflag:s23] =	ssyncadd.s32 $0xFFFFFFFF  }
0xa6: {  	s26 =	simm.s32 $execute0_lowered;
	[smem:$0x3FD2] =	sst s25  }
0xa7: {  	s6 =	sshll.u32 s26, $0x1;
	_ =	strace $0x80000046;
	[dreg:$0x1] =	wrdreg $0xFFFFFFFF  }
0xa8: {  	s28 =	simm.s32 $_size_execute0_lowered;
	s4 =	sadd.s32 s4, s6;
	[dreg:$0x0] =	wrdreg $0x0  }
0xa9: {  	s6 =	sshll.u32 s28, $0x1;
	[dreg:$0x2] =	wrdreg s4  }
0xaa: {  	[dreg:$0x3] =	wrdreg s6  }
0xab: {  	[dreg:$0x4] =	wrdreg $0xC0  }
0xac: {  	_ =	task [dreg:s8], $0x5FFFF  }
0xad: {  	[dreg:$0x1] =	wrdreg $0xFFFFFFFF  }
0xae: {  	[dreg:$0x0] =	wrdreg $0x60  }
0xaf: {  	[dreg:$0x2] =	wrdreg s24  }
0xb0: {  	[dreg:$0x3] =	wrdreg s2  }
0xb1: {  	[dreg:$0x4] =	wrdreg s18  }
0xb2: {  	[dreg:$0x5] =	wrdreg $0x4E800  }
0xb3: {  	[dreg:$0x6] =	wrdreg $0x9  }
0xb4: {  	_ =	task.clear_ibuf [dreg:s8], $0x7FFFF;
	_ =	strace $0x90000046  }
0xb5: {  	s29 =	simm.s32 $0x9;
	_ =	strace $0x80000048  }
0xb6: {  	_ =	swait.ge [sflag:s29], $0x1  }
0xb7: {  	[sflag:s29] =	ssyncadd.s32 $0xFFFFFFFF  }
0xb8: {  	_ =	strace $0x90000048  }
0xb9: {  	_ =	sfence  }
0xba: {  	s30 =	sld [smem:$0x0];
	_ =	sdelay $0x2  }
0xbb: {  	s31 =	sshll.u32 s1, $0xD;
	s1 =	sshrl.u32 s1, $0x2  }
0xbc: {  	s3 =	sand.u32 $0x4000, s31;
	s1 =	sadd.s32 s1, s30  }
0xbd: {  	s0 =	sor.u32 s3, s0;
	s1 =	sshll.u32 s1, $0x11  }
0xbe: {  	s0 =	sor.u32 s1, s0  }
0xbf: {  	s0 =	sadd.s32 $0x8F2B, s0  }
0xc0: {  	[sflag:s0] =	ssyncadd.remote.s32 $0x1  }
0xc1: {  	_ =	sfence.sel $0xFFFF  }
0xc2: {  	[dreg:$0x0] =	wrdreg $0xFFFFFFFF;
	(pc) =	sbr.abs _section_cstart, $3  }
0xc3: {  	[dreg:$0x1] =	wrdreg $0xFFFFFFFF  }
0xc4: {  	_ =	task.clear_ibuf [dreg:s8], $0x2FFFF;
	_ =	strace $0x9FFFFFFF  }
0xc5: {  	(tm) =	ssettm $0x7FFFFFFF  }
tec
execute0_lowered:
.L_overlay_start_1:
0x0: {  	(tag) =	ssettag $0x1  }
0x1: {  	s0 =	rddreg [dreg:$0x0]  }
0x2: {  	s1 =	rddreg [dreg:$0x1]  }
0x3: {  	s3 =	rddreg [dreg:$0x3];
	s14 =	stileid.u32  }
0x4: {  	s5 =	srdreg.scid;
	s4 =	simm.s32 $0x0;
	s16 =	simm.s32 $0x1DE80  }
0x5: {  	s17 =	simm.s32 $0x1DF80;
	s18 =	simm.s32 $0x50;
	s19 =	simm.s32 $0x18E80  }
0x6: {  	s20 =	simm.s32 $0x1DF00;
	s21 =	simm.s32 $0x1E000;
	s2 =	smul.u32 $0x4E20, s14  }
0x7: {  	s28 =	simm.s32 $0x4;
	s29 =	simm.s32 $0x1E100;
	s7 =	smul.u32 $0x9C4, s14  }
0x8: {  	s8 =	sand.u32 $0x1, s5;
	[smem:$0x7FF] =	sst s4;
	s9 =	smul.u32 $0x14000, s14  }
0x9: {  	s5 =	sadd.s32 $0x17800, s0;
	s11 =	smul.u32 $0x50000, s14;
	s30 =	sadd.s32 $0x3EA00, s0  }
0xa: {  	s31 =	sshll.u32 s14, $0x6;
	s6 =	smul.u32 $0x140000, s8;
	_ =	strace $0x80000047  }
0xb: {  	s10 =	ssub.s32 $0x2, s8;
	s14 =	sor.u32 $0x1C07, s31;
	s2 =	sshrl.u32 s2, $0x3  }
0xc: {  	s12 =	sadd.s32 s7, s0;
	s13 =	sshrl.u32 s10, $0x1;
	s23 =	sshrl.u32 s11, $0x2  }
0xd: {  	s11 =	sadd.s32 s7, s1;
	s2 =	sadd.s32 s2, s0;
	s9 =	sadd.s32 s9, s6  }
0xe: {  	s22 =	ssub.s32 s10, s13;
	s24 =	sadd.s32 s23, s3;
	s12 =	sadd.s32 $0x3C00, s12  }
0xf: {  	s13 =	simm.s32 $0x7;
	s23 =	simm.s32 $0x1;
	s9 =	sshrl.u32 s9, $0x3  }
0x10: {  	s2 =	sadd.s32 $0xDA00, s2;
	s26 =	smax.u32 s22, $0x1;
	s15 =	sshrl.u32 s24, $0x3  }
0x11: {  	s22 =	simm.s32 $0x1B680;
	s0 =	sadd.s32 s9, s0;
	[dreg:$0x5] =	wrdreg s2  }
0x12: {  	s24 =	simm.s32 $0x3;
	[dreg:$0x8] =	wrdreg s26;
	s25 =	sadd.s32 $0x91200, s0  }
0x13: {  	s26 =	simm.s32 $0x2;
	s0 =	sadd.s32 $0x41200, s0;
	[dreg:$0x6] =	wrdreg s25  }
0x14: {  	v0 =	vmov s8;
	[dreg:$0x7] =	wrdreg s0;
	s25 =	simm.s32 $0x1E080;
	s0 =	simm.s32 $0x0  }
.LBB2_1:
0x15: {  	s1 =	rddreg [dreg:$0x5]  }
0x16: {  	[tilespmem:s4], [sflag:$0x7] =	stream.linear.gather [hbm4b:s1+s4], $0x4E20, $0x38;
	[tilespmem:$0x1E180] =	vst v63  }
0x17: {  	_ =	swait.ge [sflag:s13], $0x4E20  }
0x18: {  	[sflag:s13] =	ssyncset.done $0x0  }
0x19: {  	[sflag:s13] =	ssyncadd.s32 $0xFFFFB1E0  }
0x1a: {  	[spmem:s15], [sflag:s14] =	dma.local [hbm:s30], $0x2800  }
0x1b: {  	s31 =	smov.u32 s30;
	_ =	swait.ge [sflag:s13], $0x2800  }
0x1c: {  	p0 =	por $0x1, $0x1;
	s7 =	simm.s32 $0x14;
	[sflag:s13] =	ssyncset.done $0x0  }
0x1d: {  	s8 =	simm.s32 $0x50;
	s2 =	simm.s32 $0x0;
	[sflag:s13] =	ssyncadd.s32 $0xFFFFD800  }
0x1e: {  	s9 =	simm.s32 @!p0 $0x5;
	s1 =	simm.s32 $0x50;
	[bflag:$0x0] =	sbarrier.arrive $0xFFFF  }
.LBB2_2:
0x1f: {  	_ =	swait.ge @!p0 [sflag:s9], $0x2800  }
0x20: {  	s8 =	sadd.s32 $0xA0, s8;
	s10 =	smov.u32 s7;
	s7 =	sadd.s32 $0x14, s7  }
0x21: {  	p1 =	sne.s32 s7, $0x9C4;
	[sflag:s9] =	ssyncset.done @!p0 $0x0  }
0x22: {  	[sflag:s9] =	ssyncadd.s32 @!p0 $0xFFFFD800;
	s9 =	sadd.s32 s2, s12  }
0x23: {  	[tilespmem:s16], [sflag:$0x1] =	stream.linear.gather [hbm4b:s9+s4], $0x50, $0x38;
	[tilespmem:$0x1E180] =	vst v63  }
0x24: {  	s6 =	sadd.s32 s2, s11;
	s2 =	smov.u32 s10  }
0x25: {  	[tilespmem:s17], [sflag:$0x1] =	stream.linear.gather [hbm4b:s6+s4], $0x50, $0x38;
	[tilespmem:$0x1E180] =	vst v63  }
0x26: {  	s30 =	simm.s32 @!p0 $0x6;
	s10 =	sadd.s32 $0xFFFFFFB0, s1  }
0x27: {  	[tilespmem:s19], [sflag:$0x3] =	stream.indirect.gather [hbm4b:s5+s18], $0x80, s10, s18, $0xb8;
	[tilespmem:$0x1E180] =	vst v63  }
0x28: {  	_ =	swait.ge @!p0 [sflag:s30], $0x2800  }
0x29: {  	[sflag:s30] =	ssyncset.done @!p0 $0x0  }
0x2a: {  	s9 =	sadd.s32 $0xA, s9;
	[sflag:s30] =	ssyncadd.s32 @!p0 $0xFFFFD800  }
0x2b: {  	[tilespmem:s20], [sflag:$0x2] =	stream.linear.gather [hbm4b:s9+s4], $0x50, $0x38;
	[tilespmem:$0x1E180] =	vst v63  }
0x2c: {  	s6 =	sadd.s32 $0xA, s6  }
0x2d: {  	[tilespmem:s21], [sflag:$0x2] =	stream.linear.gather [hbm4b:s6+s4], $0x50, $0x38;
	[tilespmem:$0x1E180] =	vst v63  }
0x2e: {  	p0 =	seq.s32 s2, $0x0  }
0x2f: {  	[tilespmem:s22], [sflag:$0x4] =	stream.indirect.gather [hbm4b:s5+s18], $0x80, s1, s18, $0xb8;
	[tilespmem:$0x1E180] =	vst v63  }
0x30: {  	s9 =	simm.s32 @!p0 $0x5;
	s1 =	smov.u32 s8;
	_ =	swait.ge [sflag:s23], $0x50  }
0x31: {  	[sflag:s23] =	ssyncset.done $0x0  }
0x32: {  	[sflag:s23] =	ssyncadd.s32 $0xFFFFFFB0  }
0x33: {  	_ =	swait.ge [sflag:s23], $0x50  }
0x34: {  	[sflag:s23] =	ssyncset.done $0x0  }
0x35: {  	[sflag:s23] =	ssyncadd.s32 $0xFFFFFFB0  }
0x36: {  	_ =	swait.ge [sflag:s24], $0x2800  }
0x37: {  	[sflag:s24] =	ssyncset.done $0x0  }
0x38: {  	[sflag:s24] =	ssyncadd.s32 $0xFFFFD800  }
0x39: {  	v1 =	vld [tilespmem:$0x1DE90]  }
0x3a: {  	v2 =	vld [tilespmem:$0x1DEC0]  }
0x3b: {  	v3 =	vld [tilespmem:$0x1DFC0]  }
0x3c: {  	v4 =	vld [tilespmem:$0x1DEB0]  }
0x3d: {  	v5 =	vld [tilespmem:$0x1DEA0]  }
0x3e: {  	v6 =	vld [tilespmem:$0x1DFB0]  }
0x3f: {  	v7 =	vld [tilespmem:$0x1DF90]  }
0x40: {  	v8 =	vld [tilespmem:$0x1DFA0];
	vm0 =	veq.s32 v3, v0  }
0x41: {  	v3 =	vld [tilespmem:$0x1DF80];
	v2 =	vnsel vm0, $0x2710, v2  }
0x42: {  	v9 =	vld [tilespmem:$0x1DE80];
	[tilespmem:$0x1E0C0] =	vst v2  }
0x43: {  	vm0 =	veq.s32 v6, v0  }
0x44: {  	vm1 =	veq.s32 v7, v0;
	v2 =	vnsel vm0, $0x2710, v4  }
0x45: {  	v1 =	vnsel vm1, $0x2710, v1;
	vm0 =	veq.s32 v8, v0;
	[tilespmem:$0x1E0B0] =	vst v2  }
0x46: {  	vm1 =	veq.s32 v3, v0;
	[tilespmem:$0x1E090] =	vst v1;
	v1 =	vnsel vm0, $0x2710, v5  }
0x47: {  	v2 =	vnsel vm1, $0x2710, v9;
	[tilespmem:$0x1E0A0] =	vst v1  }
0x48: {  	[tilespmem:$0x1E080] =	vst v2  }
0x49: {  	[spmem:s3] =	stream.indirect.scatter.add.f32 [tilespmem:s19], [sflag:$0x5], $0x80, s25, s18, $0xb8;
	[tilespmem:$0x1E180] =	vst v63  }
0x4a: {  	_ =	swait.ge [sflag:s26], $0x50  }
0x4b: {  	[sflag:s26] =	ssyncset.done $0x0  }
0x4c: {  	[sflag:s26] =	ssyncadd.s32 $0xFFFFFFB0  }
0x4d: {  	_ =	swait.ge [sflag:s26], $0x50  }
0x4e: {  	[sflag:s26] =	ssyncset.done $0x0  }
0x4f: {  	[sflag:s26] =	ssyncadd.s32 $0xFFFFFFB0  }
0x50: {  	_ =	swait.ge [sflag:s28], $0x2800  }
0x51: {  	[sflag:s28] =	ssyncset.done $0x0  }
0x52: {  	[sflag:s28] =	ssyncadd.s32 $0xFFFFD800  }
0x53: {  	v1 =	vld [tilespmem:$0x1DF00]  }
0x54: {  	v2 =	vld [tilespmem:$0x1E000]  }
0x55: {  	v3 =	vld [tilespmem:$0x1E020]  }
0x56: {  	v4 =	vld [tilespmem:$0x1DF20]  }
0x57: {  	v5 =	vld [tilespmem:$0x1DF10]  }
0x58: {  	v6 =	vld [tilespmem:$0x1E040]  }
0x59: {  	vm0 =	veq.s32 v2, v0;
	v2 =	vld [tilespmem:$0x1DF40]  }
0x5a: {  	v1 =	vnsel vm0, $0x2710, v1;
	v7 =	vld [tilespmem:$0x1E010];
	vm0 =	veq.s32 v3, v0  }
0x5b: {  	[tilespmem:$0x1E100] =	vst v1;
	v1 =	vnsel vm0, $0x2710, v4;
	v3 =	vld [tilespmem:$0x1E030]  }
0x5c: {  	[tilespmem:$0x1E120] =	vst v1;
	v1 =	vld [tilespmem:$0x1DF30]  }
0x5d: {  	vm0 =	veq.s32 v6, v0  }
0x5e: {  	v2 =	vnsel vm0, $0x2710, v2  }
.Ltmp0:
0x5f: {  	vm0 =	veq.s32 v7, v0;
	[tilespmem:$0x1E140] =	vst v2;
	(pc) =	sbr.rel @p1 .LBB2_2-.Ltmp0, $4  }
0x60: {  	v2 =	vnsel vm0, $0x2710, v5;
	vm0 =	veq.s32 v3, v0  }
0x61: {  	[tilespmem:$0x1E110] =	vst v2;
	v1 =	vnsel vm0, $0x2710, v1  }
0x62: {  	[tilespmem:$0x1E130] =	vst v1  }
0x63: {  	[spmem:s3] =	stream.indirect.scatter.add.f32 [tilespmem:s22], [sflag:$0x6], $0x80, s29, s18, $0xb8;
	[tilespmem:$0x1E180] =	vst v63  }
0x64: {  	_ =	swait.ge @!p0 [sflag:s9], $0x2800  }
0x65: {  	[sflag:s9] =	ssyncset.done @!p0 $0x0  }
0x66: {  	s6 =	sadd.s32 s2, s12;
	[sflag:s9] =	ssyncadd.s32 @!p0 $0xFFFFD800  }
0x67: {  	[tilespmem:s16], [sflag:$0x1] =	stream.linear.gather [hbm4b:s6+s4], $0x50, $0x38;
	[tilespmem:$0x1E180] =	vst v63  }
0x68: {  	s8 =	sadd.s32 s2, s11  }
0x69: {  	[tilespmem:s17], [sflag:$0x1] =	stream.linear.gather [hbm4b:s8+s4], $0x50, $0x38;
	[tilespmem:$0x1E180] =	vst v63  }
0x6a: {  	s7 =	sadd.s32 $0xFFFFFFB0, s1  }
0x6b: {  	[tilespmem:s19], [sflag:$0x3] =	stream.indirect.gather [hbm4b:s5+s18], $0x80, s7, s18, $0xb8;
	[tilespmem:$0x1E180] =	vst v63  }
0x6c: {  	s7 =	simm.s32 @!p0 $0x6  }
0x6d: {  	_ =	swait.ge @!p0 [sflag:s7], $0x2800  }
0x6e: {  	[sflag:s7] =	ssyncset.done @!p0 $0x0  }
0x6f: {  	s6 =	sadd.s32 $0xA, s6;
	[sflag:s7] =	ssyncadd.s32 @!p0 $0xFFFFD800  }
0x70: {  	[tilespmem:s20], [sflag:$0x2] =	stream.linear.gather [hbm4b:s6+s4], $0x50, $0x38;
	[tilespmem:$0x1E180] =	vst v63  }
0x71: {  	s2 =	sadd.s32 $0xA, s8  }
0x72: {  	[tilespmem:s21], [sflag:$0x2] =	stream.linear.gather [hbm4b:s2+s4], $0x50, $0x38;
	[tilespmem:$0x1E180] =	vst v63  }
0x73: {  	_ = 	snop  }
0x74: {  	[tilespmem:s22], [sflag:$0x4] =	stream.indirect.gather [hbm4b:s5+s18], $0x80, s1, s18, $0xb8;
	[tilespmem:$0x1E180] =	vst v63  }
0x75: {  	_ =	swait.ge [sflag:s23], $0x50  }
0x76: {  	[sflag:s23] =	ssyncset.done $0x0  }
0x77: {  	[sflag:s23] =	ssyncadd.s32 $0xFFFFFFB0  }
0x78: {  	_ =	swait.ge [sflag:s23], $0x50  }
0x79: {  	[sflag:s23] =	ssyncset.done $0x0  }
0x7a: {  	[sflag:s23] =	ssyncadd.s32 $0xFFFFFFB0  }
0x7b: {  	_ =	swait.ge [sflag:s24], $0x2800  }
0x7c: {  	[sflag:s24] =	ssyncset.done $0x0  }
0x7d: {  	[sflag:s24] =	ssyncadd.s32 $0xFFFFD800  }
0x7e: {  	v1 =	vld [tilespmem:$0x1DE90]  }
0x7f: {  	v2 =	vld [tilespmem:$0x1DEC0]  }
0x80: {  	v3 =	vld [tilespmem:$0x1DFC0]  }
0x81: {  	v4 =	vld [tilespmem:$0x1DEB0]  }
0x82: {  	v5 =	vld [tilespmem:$0x1DEA0]  }
0x83: {  	v7 =	vld [tilespmem:$0x1DF90]  }
0x84: {  	v6 =	vld [tilespmem:$0x1DFB0]  }
0x85: {  	v8 =	vld [tilespmem:$0x1DFA0]  }
0x86: {  	v9 =	vld [tilespmem:$0x1DF80]  }
0x87: {  	vm0 =	veq.s32 v3, v0;
	v3 =	vld [tilespmem:$0x1DE80]  }
0x88: {  	vm1 =	veq.s32 v7, v0;
	v2 =	vnsel vm0, $0x2710, v2  }
0x89: {  	vm0 =	veq.s32 v6, v0;
	v1 =	vnsel vm1, $0x2710, v1;
	[tilespmem:$0x1E0C0] =	vst v2  }
0x8a: {  	v2 =	vnsel vm0, $0x2710, v4;
	vm0 =	veq.s32 v8, v0;
	[tilespmem:$0x1E090] =	vst v1  }
0x8b: {  	vm1 =	veq.s32 v9, v0;
	[tilespmem:$0x1E0B0] =	vst v2;
	v1 =	vnsel vm0, $0x2710, v5  }
0x8c: {  	[tilespmem:$0x1E0A0] =	vst v1;
	v2 =	vnsel vm1, $0x2710, v3  }
0x8d: {  	[tilespmem:$0x1E080] =	vst v2  }
0x8e: {  	[spmem:s3] =	stream.indirect.scatter.add.f32 [tilespmem:s19], [sflag:$0x5], $0x80, s25, s18, $0xb8;
	[tilespmem:$0x1E180] =	vst v63  }
0x8f: {  	_ =	swait.ge [sflag:s26], $0x50  }
0x90: {  	[sflag:s26] =	ssyncset.done $0x0  }
0x91: {  	[sflag:s26] =	ssyncadd.s32 $0xFFFFFFB0  }
0x92: {  	_ =	swait.ge [sflag:s26], $0x50  }
0x93: {  	[sflag:s26] =	ssyncset.done $0x0  }
0x94: {  	[sflag:s26] =	ssyncadd.s32 $0xFFFFFFB0  }
0x95: {  	_ =	swait.ge [sflag:s28], $0x2800  }
0x96: {  	[sflag:s28] =	ssyncset.done $0x0  }
0x97: {  	[sflag:s28] =	ssyncadd.s32 $0xFFFFD800  }
0x98: {  	v1 =	vld [tilespmem:$0x1DF00]  }
0x99: {  	v2 =	vld [tilespmem:$0x1E000]  }
0x9a: {  	v3 =	vld [tilespmem:$0x1E020]  }
0x9b: {  	v46 =	vld [tilespmem:$0x1DF20]  }
0x9c: {  	v47 =	vld [tilespmem:$0x1DF10]  }
0x9d: {  	v48 =	vld [tilespmem:$0x1E040]  }
0x9e: {  	v49 =	vld [tilespmem:$0x1DF40]  }
0x9f: {  	v50 =	vld [tilespmem:$0x1E010]  }
0xa0: {  	v51 =	vld [tilespmem:$0x1E030]  }
0xa1: {  	vm0 =	veq.s32 v2, v0;
	v2 =	vld [tilespmem:$0x1DF30]  }
0xa2: {  	v1 =	vnsel vm0, $0x2710, v1;
	vm0 =	veq.s32 v3, v0  }
0xa3: {  	[tilespmem:$0x1E100] =	vst v1;
	v1 =	vnsel vm0, $0x2710, v46;
	vm0 =	veq.s32 v48, v0  }
0xa4: {  	[tilespmem:$0x1E120] =	vst v1;
	v1 =	vnsel vm0, $0x2710, v49;
	vm0 =	veq.s32 v50, v0  }
0xa5: {  	[tilespmem:$0x1E140] =	vst v1;
	v1 =	vnsel vm0, $0x2710, v47;
	vm0 =	veq.s32 v51, v0  }
0xa6: {  	[tilespmem:$0x1E110] =	vst v1;
	v1 =	vnsel vm0, $0x2710, v2  }
0xa7: {  	s10 =	simm.s32 $0x5;
	[tilespmem:$0x1E130] =	vst v1  }
0xa8: {  	[spmem:s3] =	stream.indirect.scatter.add.f32 [tilespmem:s22], [sflag:$0x6], $0x80, s29, s18, $0xb8;
	[tilespmem:$0x1E180] =	vst v63  }
0xa9: {  	_ =	swait.ge [sflag:s10], $0x2800  }
0xaa: {  	[sflag:s10] =	ssyncset.done $0x0  }
0xab: {  	s9 =	simm.s32 $0x6;
	[sflag:s10] =	ssyncadd.s32 $0xFFFFD800  }
0xac: {  	_ =	swait.ge [sflag:s9], $0x2800  }
0xad: {  	[sflag:s9] =	ssyncset.done $0x0  }
0xae: {  	[sflag:s9] =	ssyncadd.s32 $0xFFFFD800  }
0xaf: {  	[bflag:$0x0] =	sbarrier.arrive $0xFFFF  }
0xb0: {  	s2 =	rddreg [dreg:$0x6]  }
0xb1: {  	[hbm:s2], [sflag:s14] =	dma.local [spmem:s15], $0x2800  }
0xb2: {  	_ =	swait.ge [sflag:s13], $0x2800  }
0xb3: {  	[sflag:s13] =	ssyncset.done $0x0  }
0xb4: {  	[sflag:s13] =	ssyncadd.s32 $0xFFFFD800  }
0xb5: {  	[bflag:$0x0] =	sbarrier.arrive $0xFFFF  }
0xb6: {  	[spmem:s15], [sflag:s14] =	dma.local [hbm:s31], $0x2800  }
0xb7: {  	_ =	swait.ge [sflag:s13], $0x2800  }
0xb8: {  	[sflag:s13] =	ssyncset.done $0x0  }
0xb9: {  	[sflag:s13] =	ssyncadd.s32 $0xFFFFD800  }
0xba: {  	s6 =	simm.s32 $0x0;
	s7 =	rddreg [dreg:$0x2]  }
0xbb: {  	[tilespmem:s19], [sflag:$0x7] =	stream.linear.gather [hbm4b:s7+s6], $0x2800, $0x38;
	[tilespmem:$0x1E180] =	vst v63  }
0xbc: {  	_ =	swait.ge [sflag:s13], $0x2800  }
0xbd: {  	[sflag:s13] =	ssyncset.done $0x0  }
0xbe: {  	p0 =	por $0x1, $0x1;
	[sflag:s13] =	ssyncadd.s32 $0xFFFFD800  }
0xbf: {  	s1 =	simm.s32 @!p0 $0x5;
	[bflag:$0x0] =	sbarrier.arrive $0xFFFF  }
0xc0: {  	_ =	swait.ge @!p0 [sflag:s1], $0x2800  }
0xc1: {  	[sflag:s1] =	ssyncset.done @!p0 $0x0  }
0xc2: {  	s8 =	sadd.s32 $0x0, s12;
	[sflag:s1] =	ssyncadd.s32 @!p0 $0xFFFFD800  }
0xc3: {  	[tilespmem:s16], [sflag:$0x1] =	stream.linear.gather [hbm4b:s8+s4], $0x50, $0x38;
	[tilespmem:$0x1E180] =	vst v63  }
0xc4: {  	s9 =	sadd.s32 $0x0, s11;
	s6 =	simm.s32 @!p0 $0x6  }
0xc5: {  	[tilespmem:s17], [sflag:$0x1] =	stream.linear.gather [hbm4b:s9+s4], $0x50, $0x38;
	[tilespmem:$0x1E180] =	vst v63  }
0xc6: {  	_ =	swait.ge @!p0 [sflag:s6], $0x2800  }
0xc7: {  	[sflag:s6] =	ssyncset.done @!p0 $0x0  }
0xc8: {  	s1 =	sadd.s32 $0xA, s8;
	[sflag:s6] =	ssyncadd.s32 @!p0 $0xFFFFD800  }
0xc9: {  	[tilespmem:s20], [sflag:$0x2] =	stream.linear.gather [hbm4b:s1+s4], $0x50, $0x38;
	[tilespmem:$0x1E180] =	vst v63  }
0xca: {  	s30 =	smov.u32 s31;
	s31 =	sadd.s32 $0xA, s9  }
0xcb: {  	[tilespmem:s21], [sflag:$0x2] =	stream.linear.gather [hbm4b:s31+s4], $0x50, $0x38;
	[tilespmem:$0x1E180] =	vst v63  }
0xcc: {  	_ =	swait.ge [sflag:s23], $0x50  }
0xcd: {  	[sflag:s23] =	ssyncset.done $0x0  }
0xce: {  	[sflag:s23] =	ssyncadd.s32 $0xFFFFFFB0  }
0xcf: {  	_ =	swait.ge [sflag:s23], $0x50  }
0xd0: {  	[sflag:s23] =	ssyncset.done $0x0  }
0xd1: {  	[sflag:s23] =	ssyncadd.s32 $0xFFFFFFB0  }
0xd2: {  	v1 =	vld [tilespmem:$0x1DEB0]  }
0xd3: {  	v2 =	vld [tilespmem:$0x1DFB0]  }
0xd4: {  	v3 =	vld [tilespmem:$0x1DEA0]  }
0xd5: {  	v52 =	vld [tilespmem:$0x1DE90]  }
0xd6: {  	v53 =	vld [tilespmem:$0x1DEC0]  }
0xd7: {  	v54 =	vld [tilespmem:$0x1DFA0]  }
0xd8: {  	v56 =	vld [tilespmem:$0x1DF90]  }
0xd9: {  	v55 =	vld [tilespmem:$0x1DFC0]  }
0xda: {  	v57 =	vld [tilespmem:$0x1DF80]  }
0xdb: {  	vm0 =	veq.s32 v2, v0;
	v2 =	vld [tilespmem:$0x1DE80]  }
0xdc: {  	v1 =	vnsel vm0, $0x2710, v1;
	vm0 =	veq.s32 v54, v0  }
0xdd: {  	vm1 =	veq.s32 v56, v0;
	[tilespmem:$0x1E0B0] =	vst v1;
	v1 =	vnsel vm0, $0x2710, v3  }
0xde: {  	vm0 =	veq.s32 v55, v0;
	v3 =	vnsel vm1, $0x2710, v52;
	[tilespmem:$0x1E0A0] =	vst v1  }
0xdf: {  	v1 =	vnsel vm0, $0x2710, v53;
	vm0 =	veq.s32 v57, v0;
	[tilespmem:$0x1E090] =	vst v3  }
0xe0: {  	[tilespmem:$0x1E0C0] =	vst v1;
	v1 =	vnsel vm0, $0x2710, v2  }
0xe1: {  	[tilespmem:$0x1E080] =	vst v1  }
0xe2: {  	[spmem:s3] =	stream.indirect.scatter.add.f32 [tilespmem:s19], [sflag:$0x5], $0x80, s25, s18, $0xb8;
	[tilespmem:$0x1E180] =	vst v63  }
0xe3: {  	_ =	swait.ge [sflag:s26], $0x50  }
0xe4: {  	[sflag:s26] =	ssyncset.done $0x0  }
0xe5: {  	[sflag:s26] =	ssyncadd.s32 $0xFFFFFFB0  }
0xe6: {  	_ =	swait.ge [sflag:s26], $0x50  }
0xe7: {  	[sflag:s26] =	ssyncset.done $0x0  }
0xe8: {  	[sflag:s26] =	ssyncadd.s32 $0xFFFFFFB0  }
0xe9: {  	v1 =	vld [tilespmem:$0x1E000]  }
0xea: {  	v2 =	vld [tilespmem:$0x1DF30]  }
0xeb: {  	v3 =	vld [tilespmem:$0x1E020]  }
0xec: {  	v58 =	vld [tilespmem:$0x1DF20]  }
0xed: {  	v59 =	vld [tilespmem:$0x1DF00]  }
0xee: {  	v60 =	vld [tilespmem:$0x1E040]  }
0xef: {  	v61 =	vld [tilespmem:$0x1DF40]  }
0xf0: {  	v62 =	vld [tilespmem:$0x1E030];
	vm0 =	veq.s32 v3, v0  }
0xf1: {  	v63 =	vld [tilespmem:$0x1E010];
	vm1 =	veq.s32 v1, v0;
	v1 =	vnsel vm0, $0x2710, v58  }
0xf2: {  	[tilespmem:$0x1E120] =	vst v1;
	v1 =	vld [tilespmem:$0x1DF10];
	_ =	sdelay $0x1  }
0xf3: {  	v3 =	vnsel vm1, $0x2710, v59;
	vm0 =	veq.s32 v60, v0  }
0xf4: {  	p0 =	por $0x0, $0x0;
	vm1 =	veq.s32 v62, v0;
	[tilespmem:$0x1E100] =	vst v3;
	v3 =	vnsel vm0, $0x2710, v61  }
0xf5: {  	s2 =	simm.s32 $0x28;
	s1 =	simm.s32 $0x14;
	s7 =	simm.s32 @!p0 $0x5;
	vm0 =	veq.s32 v63, v0;
	v2 =	vnsel vm1, $0x2710, v2;
	[tilespmem:$0x1E140] =	vst v3  }
.LBB2_4:
0xf6: {  	v1 =	vnsel vm0, $0x2710, v1;
	[tilespmem:$0x1E130] =	vst v2;
	s6 =	smov.u32 s2;
	s2 =	sadd.s32 $0x14, s2  }
0xf7: {  	p1 =	sne.s32 s2, $0x9C4;
	[tilespmem:$0x1E110] =	vst v1  }
0xf8: {  	[spmem:s3] =	stream.indirect.scatter.add.f32 [tilespmem:s19], [sflag:$0x6], $0x80, s29, s18, $0xb8;
	[tilespmem:$0x1E180] =	vst v63  }
0xf9: {  	_ =	swait.ge @!p0 [sflag:s7], $0x2800  }
0xfa: {  	[sflag:s7] =	ssyncset.done @!p0 $0x0  }
0xfb: {  	[sflag:s7] =	ssyncadd.s32 @!p0 $0xFFFFD800;
	s7 =	sadd.s32 s1, s12  }
0xfc: {  	[tilespmem:s16], [sflag:$0x1] =	stream.linear.gather [hbm4b:s7+s4], $0x50, $0x38;
	[tilespmem:$0x1E180] =	vst v63  }
0xfd: {  	s8 =	sadd.s32 s1, s11;
	s9 =	simm.s32 @!p0 $0x6;
	s1 =	smov.u32 s6  }
0xfe: {  	[tilespmem:s17], [sflag:$0x1] =	stream.linear.gather [hbm4b:s8+s4], $0x50, $0x38;
	[tilespmem:$0x1E180] =	vst v63  }
0xff: {  	_ =	swait.ge @!p0 [sflag:s9], $0x2800  }
0x100: {  	[sflag:s9] =	ssyncset.done @!p0 $0x0  }
0x101: {  	s6 =	sadd.s32 $0xA, s7;
	[sflag:s9] =	ssyncadd.s32 @!p0 $0xFFFFD800  }
0x102: {  	[tilespmem:s20], [sflag:$0x2] =	stream.linear.gather [hbm4b:s6+s4], $0x50, $0x38;
	[tilespmem:$0x1E180] =	vst v63  }
0x103: {  	s6 =	sadd.s32 $0xA, s8  }
0x104: {  	[tilespmem:s21], [sflag:$0x2] =	stream.linear.gather [hbm4b:s6+s4], $0x50, $0x38;
	[tilespmem:$0x1E180] =	vst v63  }
0x105: {  	p0 =	seq.s32 s1, $0x0;
	_ =	swait.ge [sflag:s23], $0x50  }
0x106: {  	s7 =	simm.s32 @!p0 $0x5;
	[sflag:s23] =	ssyncset.done $0x0  }
0x107: {  	[sflag:s23] =	ssyncadd.s32 $0xFFFFFFB0  }
0x108: {  	_ =	swait.ge [sflag:s23], $0x50  }
0x109: {  	[sflag:s23] =	ssyncset.done $0x0  }
0x10a: {  	[sflag:s23] =	ssyncadd.s32 $0xFFFFFFB0  }
0x10b: {  	v1 =	vld [tilespmem:$0x1DEB0]  }
0x10c: {  	v2 =	vld [tilespmem:$0x1DFB0]  }
0x10d: {  	v3 =	vld [tilespmem:$0x1DEA0]  }
0x10e: {  	v4 =	vld [tilespmem:$0x1DE90]  }
0x10f: {  	v5 =	vld [tilespmem:$0x1DEC0]  }
0x110: {  	v6 =	vld [tilespmem:$0x1DFA0]  }
0x111: {  	vm0 =	veq.s32 v2, v0;
	v2 =	vld [tilespmem:$0x1DFC0]  }
0x112: {  	v7 =	vld [tilespmem:$0x1DF90];
	v1 =	vnsel vm0, $0x2710, v1  }
0x113: {  	v8 =	vld [tilespmem:$0x1DF80];
	[tilespmem:$0x1E0B0] =	vst v1  }
0x114: {  	v1 =	vld [tilespmem:$0x1DE80]  }
0x115: {  	vm0 =	veq.s32 v6, v0  }
0x116: {  	v3 =	vnsel vm0, $0x2710, v3;
	vm0 =	veq.s32 v2, v0  }
0x117: {  	vm1 =	veq.s32 v7, v0;
	[tilespmem:$0x1E0A0] =	vst v3;
	v2 =	vnsel vm0, $0x2710, v5  }
0x118: {  	vm0 =	veq.s32 v8, v0;
	v3 =	vnsel vm1, $0x2710, v4;
	[tilespmem:$0x1E0C0] =	vst v2  }
0x119: {  	v1 =	vnsel vm0, $0x2710, v1;
	[tilespmem:$0x1E090] =	vst v3  }
0x11a: {  	[tilespmem:$0x1E080] =	vst v1  }
0x11b: {  	[spmem:s3] =	stream.indirect.scatter.add.f32 [tilespmem:s19], [sflag:$0x5], $0x80, s25, s18, $0xb8;
	[tilespmem:$0x1E180] =	vst v63  }
0x11c: {  	_ =	swait.ge [sflag:s26], $0x50  }
0x11d: {  	[sflag:s26] =	ssyncset.done $0x0  }
0x11e: {  	[sflag:s26] =	ssyncadd.s32 $0xFFFFFFB0  }
0x11f: {  	_ =	swait.ge [sflag:s26], $0x50  }
0x120: {  	[sflag:s26] =	ssyncset.done $0x0  }
0x121: {  	[sflag:s26] =	ssyncadd.s32 $0xFFFFFFB0  }
0x122: {  	v1 =	vld [tilespmem:$0x1E000]  }
0x123: {  	v2 =	vld [tilespmem:$0x1DF30]  }
0x124: {  	v3 =	vld [tilespmem:$0x1E020]  }
0x125: {  	v4 =	vld [tilespmem:$0x1DF20]  }
0x126: {  	v5 =	vld [tilespmem:$0x1DF00]  }
0x127: {  	vm0 =	veq.s32 v1, v0;
	v6 =	vld [tilespmem:$0x1E040]  }
0x128: {  	v7 =	vld [tilespmem:$0x1DF40]  }
0x129: {  	vm1 =	veq.s32 v3, v0;
	v3 =	vld [tilespmem:$0x1E030]  }
0x12a: {  	v8 =	vld [tilespmem:$0x1E010];
	v4 =	vnsel vm1, $0x2710, v4  }
.Ltmp1:
0x12b: {  	v5 =	vnsel vm0, $0x2710, v5;
	v1 =	vld [tilespmem:$0x1DF10];
	[tilespmem:$0x1E120] =	vst v4;
	(pc) =	sbr.rel @p1 .LBB2_4-.Ltmp1, $4  }
0x12c: {  	[tilespmem:$0x1E100] =	vst v5;
	vm0 =	veq.s32 v6, v0  }
0x12d: {  	v4 =	vnsel vm0, $0x2710, v7  }
0x12e: {  	vm1 =	veq.s32 v3, v0;
	[tilespmem:$0x1E140] =	vst v4  }
0x12f: {  	vm0 =	veq.s32 v8, v0;
	v2 =	vnsel vm1, $0x2710, v2  }
0x130: {  	v1 =	vnsel vm0, $0x2710, v1;
	[tilespmem:$0x1E130] =	vst v2  }
0x131: {  	[tilespmem:$0x1E110] =	vst v1  }
0x132: {  	[spmem:s3] =	stream.indirect.scatter.add.f32 [tilespmem:s19], [sflag:$0x6], $0x80, s29, s18, $0xb8;
	[tilespmem:$0x1E180] =	vst v63  }
0x133: {  	_ =	swait.ge @!p0 [sflag:s7], $0x2800  }
0x134: {  	[sflag:s7] =	ssyncset.done @!p0 $0x0  }
0x135: {  	s2 =	sadd.s32 s1, s12;
	[sflag:s7] =	ssyncadd.s32 @!p0 $0xFFFFD800  }
0x136: {  	[tilespmem:s16], [sflag:$0x1] =	stream.linear.gather [hbm4b:s2+s4], $0x50, $0x38;
	[tilespmem:$0x1E180] =	vst v63  }
0x137: {  	s8 =	sadd.s32 s1, s11;
	s6 =	simm.s32 @!p0 $0x6  }
0x138: {  	[tilespmem:s17], [sflag:$0x1] =	stream.linear.gather [hbm4b:s8+s4], $0x50, $0x38;
	[tilespmem:$0x1E180] =	vst v63  }
0x139: {  	_ =	swait.ge @!p0 [sflag:s6], $0x2800  }
0x13a: {  	[sflag:s6] =	ssyncset.done @!p0 $0x0  }
0x13b: {  	s2 =	sadd.s32 $0xA, s2;
	[sflag:s6] =	ssyncadd.s32 @!p0 $0xFFFFD800  }
0x13c: {  	[tilespmem:s20], [sflag:$0x2] =	stream.linear.gather [hbm4b:s2+s4], $0x50, $0x38;
	[tilespmem:$0x1E180] =	vst v63  }
0x13d: {  	s1 =	sadd.s32 $0xA, s8  }
0x13e: {  	[tilespmem:s21], [sflag:$0x2] =	stream.linear.gather [hbm4b:s1+s4], $0x50, $0x38;
	[tilespmem:$0x1E180] =	vst v63  }
0x13f: {  	_ =	swait.ge [sflag:s23], $0x50  }
0x140: {  	[sflag:s23] =	ssyncset.done $0x0  }
0x141: {  	[sflag:s23] =	ssyncadd.s32 $0xFFFFFFB0  }
0x142: {  	_ =	swait.ge [sflag:s23], $0x50  }
0x143: {  	[sflag:s23] =	ssyncset.done $0x0  }
0x144: {  	[sflag:s23] =	ssyncadd.s32 $0xFFFFFFB0  }
0x145: {  	v1 =	vld [tilespmem:$0x1DEB0]  }
0x146: {  	v2 =	vld [tilespmem:$0x1DFB0]  }
0x147: {  	v3 =	vld [tilespmem:$0x1DEA0]  }
0x148: {  	v4 =	vld [tilespmem:$0x1DE90]  }
0x149: {  	v5 =	vld [tilespmem:$0x1DEC0]  }
0x14a: {  	v6 =	vld [tilespmem:$0x1DFA0]  }
0x14b: {  	v8 =	vld [tilespmem:$0x1DF90]  }
0x14c: {  	v7 =	vld [tilespmem:$0x1DFC0]  }
0x14d: {  	v9 =	vld [tilespmem:$0x1DF80]  }
0x14e: {  	vm7 =	veq.s32 v2, v0;
	v2 =	vld [tilespmem:$0x1DE80]  }
0x14f: {  	vm8 =	veq.s32 v6, v0;
	v1 =	vnsel vm7, $0x2710, v1  }
0x150: {  	vm1 =	veq.s32 v8, v0;
	[tilespmem:$0x1E0B0] =	vst v1;
	v1 =	vnsel vm8, $0x2710, v3  }
0x151: {  	vm9 =	veq.s32 v7, v0;
	v3 =	vnsel vm1, $0x2710, v4;
	[tilespmem:$0x1E0A0] =	vst v1  }
0x152: {  	vm10 =	veq.s32 v9, v0;
	v1 =	vnsel vm9, $0x2710, v5;
	[tilespmem:$0x1E090] =	vst v3  }
0x153: {  	[tilespmem:$0x1E0C0] =	vst v1;
	v1 =	vnsel vm10, $0x2710, v2  }
0x154: {  	[tilespmem:$0x1E080] =	vst v1  }
0x155: {  	[spmem:s3] =	stream.indirect.scatter.add.f32 [tilespmem:s19], [sflag:$0x5], $0x80, s25, s18, $0xb8;
	[tilespmem:$0x1E180] =	vst v63  }
0x156: {  	_ =	swait.ge [sflag:s26], $0x50  }
0x157: {  	[sflag:s26] =	ssyncset.done $0x0  }
0x158: {  	[sflag:s26] =	ssyncadd.s32 $0xFFFFFFB0  }
0x159: {  	_ =	swait.ge [sflag:s26], $0x50  }
0x15a: {  	[sflag:s26] =	ssyncset.done $0x0  }
0x15b: {  	[sflag:s26] =	ssyncadd.s32 $0xFFFFFFB0  }
0x15c: {  	v1 =	vld [tilespmem:$0x1E000]  }
0x15d: {  	v2 =	vld [tilespmem:$0x1DF30]  }
0x15e: {  	v3 =	vld [tilespmem:$0x1E020]  }
0x15f: {  	v57 =	vld [tilespmem:$0x1DF20]  }
0x160: {  	v58 =	vld [tilespmem:$0x1DF00]  }
0x161: {  	v59 =	vld [tilespmem:$0x1E040]  }
0x162: {  	v60 =	vld [tilespmem:$0x1DF40]  }
0x163: {  	v61 =	vld [tilespmem:$0x1E030]  }
0x164: {  	v62 =	vld [tilespmem:$0x1E010]  }
0x165: {  	vm11 =	veq.s32 v3, v0;
	v3 =	vld [tilespmem:$0x1DF10]  }
0x166: {  	vm12 =	veq.s32 v1, v0;
	v1 =	vnsel vm11, $0x2710, v57  }
0x167: {  	vm13 =	veq.s32 v59, v0;
	v63 =	vnsel vm12, $0x2710, v58;
	[tilespmem:$0x1E120] =	vst v1  }
0x168: {  	vm14 =	veq.s32 v61, v0;
	[tilespmem:$0x1E100] =	vst v63;
	v1 =	vnsel vm13, $0x2710, v60  }
0x169: {  	vm15 =	veq.s32 v62, v0;
	[tilespmem:$0x1E140] =	vst v1;
	v1 =	vnsel vm14, $0x2710, v2  }
0x16a: {  	[tilespmem:$0x1E130] =	vst v1;
	v2 =	vnsel vm15, $0x2710, v3  }
0x16b: {  	[tilespmem:$0x1E110] =	vst v2  }
0x16c: {  	[spmem:s3] =	stream.indirect.scatter.add.f32 [tilespmem:s19], [sflag:$0x6], $0x80, s29, s18, $0xb8;
	[tilespmem:$0x1E180] =	vst v63  }
0x16d: {  	_ =	swait.ge [sflag:s10], $0x2800  }
0x16e: {  	[sflag:s10] =	ssyncset.done $0x0  }
0x16f: {  	s9 =	simm.s32 $0x6;
	[sflag:s10] =	ssyncadd.s32 $0xFFFFD800  }
0x170: {  	_ =	swait.ge [sflag:s9], $0x2800  }
0x171: {  	[sflag:s9] =	ssyncset.done $0x0  }
0x172: {  	[sflag:s9] =	ssyncadd.s32 $0xFFFFD800  }
0x173: {  	[bflag:$0x0] =	sbarrier.arrive $0xFFFF  }
0x174: {  	s10 =	rddreg [dreg:$0x7]  }
0x175: {  	[hbm:s10], [sflag:s14] =	dma.local [spmem:s15], $0x2800  }
0x176: {  	_ =	swait.ge [sflag:s13], $0x2800  }
0x177: {  	s0 =	sadd.s32 $0x1, s0;
	s31 =	rddreg [dreg:$0x8]  }
0x178: {  	p0 =	sne.s32 s0, s31  }
.Ltmp2:
0x179: {  	_ = 	snop;
	(pc) =	sbr.rel @p0 .LBB2_1-.Ltmp2, $3  }
0x17a: {  	_ =	sdelay $0x1  }
0x17b: {  	[sflag:s13] =	ssyncset.done $0x0  }
0x17c: {  	[sflag:s13] =	ssyncadd.s32 $0xFFFFD800  }
0x17d: {  	_ =	sfence.sel $0x180000  }
0x17e: {  	[bflag:$0x0] =	sbarrier.arrive $0xFFFF  }
0x17f: {  	_ =	strace $0x90000047  }
0x180: {  	s0 =	stileid.u32;
	[bflag:$0x2] =	sbarrier.arrive $0xFFFF  }
0x181: {  	p0 =	sne.s32 s0, $0x0;
	s0 =	rddreg [dreg:$0x4]  }
0x182: {  	s0 =	sadd.s32 @!p0 $0x100000, s0  }
0x183: {  	[sflag:s0] =	ssyncadd.tile.s32 @!p0 $0x1;
	_ =	shalt  }
.Lfunc_end2:
_tile_overlayer_lowered:
.L_overlay_start_2:
0x184: {  	(tag) =	ssettag $0x2  }
0x185: {  	s0 =	rddreg [dreg:$0x0];
	s2 =	stileid.u32  }
0x186: {  	s1 =	rddreg [dreg:$0x1];
	p0 =	sne.s32 s2, $0x0  }
0x187: {  	s3 =	rddreg [dreg:$0x2];
	[bflag:$0x3] =	sbarrier.arrive $0xFFFF;
	s2 =	simm.s32 @!p0 $0x1C07  }
0x188: {  	[timem:s3], [sflag:s2] =	dma.local @!p0 [hbm:s0], s1  }
0x189: {  	s0 =	simm.s32 @!p0 $0x7  }
0x18a: {  	_ =	swait.ge @!p0 [sflag:s0], s1  }
0x18b: {  	s1 =	ssub.s32 @!p0 $0x0, s1;
	[sflag:s0] =	ssyncset.done @!p0 $0x0  }
0x18c: {  	[sflag:s0] =	ssyncadd.s32 @!p0 s1  }
0x18d: {  	[bflag:$0x3] =	sbarrier.arrive $0xFFFF  }
0x18e: {  	_ =	shalt  }

</sc_bundles>
